<compile_context>
chip_gen: v7x
topology: tpu7x:2x2x1
jax: 0.10.2.dev20260603
libtpu: 0.0.44.dev20260713+nightly
codegen_flags: <defaults>
</compile_context>

<pallas_src>
import functools

import jax
import jax.numpy as jnp
from jax import lax
from jax.experimental import pallas as pl
from jax.experimental.pallas import tpu as pltpu
from jax.experimental.pallas import tpu_sc as plsc

E = 64
H = 1024
I = 512
TM = 128
NC, NSC = 2, 16
NW = NC * NSC

def _sc_mesh():
    return plsc.VectorSubcoreMesh(
        core_axis_name="c", subcore_axis_name="s",
        num_cores=NC, num_subcores=NSC)

_CDIMS_T = (((1,), (1,)), ((), ()))


def _stage1_body(x_ref, wg_ref, wsg_ref, wsu_ref, wsd_ref,
                 sh_ref, xr_ref, eid_ref):
    x = x_ref[...]
    xb = x.astype(jnp.bfloat16)
    logits = lax.dot_general(xb, wg_ref[...].astype(jnp.bfloat16), _CDIMS_T,
                             preferred_element_type=jnp.float32)
    m = jnp.max(logits, axis=1, keepdims=True)
    cols = lax.broadcasted_iota(jnp.int32, logits.shape, 1)
    eid_ref[...] = jnp.min(jnp.where(logits == m, cols, E), axis=1)
    score = jax.nn.sigmoid(m)
    xr_ref[...] = x * score
    g = lax.dot_general(xb, wsg_ref[...], _CDIMS_T,
                        preferred_element_type=jnp.float32)
    u = lax.dot_general(xb, wsu_ref[...], _CDIMS_T,
                        preferred_element_type=jnp.float32)
    hh = (g * jax.nn.sigmoid(g) * u).astype(jnp.bfloat16)
    sh_ref[...] = lax.dot_general(hh, wsd_ref[...], _CDIMS_T,
                                  preferred_element_type=jnp.float32)


def _stage1(x, wg, wsg16, wsu16, wsd16):
    t = x.shape[0]
    bt = 512
    n = t // bt
    return pl.pallas_call(
        _stage1_body,
        grid=(n,),
        in_specs=[
            pl.BlockSpec((bt, H), lambda i: (i, 0)),
            pl.BlockSpec((E, H), lambda i: (0, 0)),
            pl.BlockSpec((I, H), lambda i: (0, 0)),
            pl.BlockSpec((I, H), lambda i: (0, 0)),
            pl.BlockSpec((H, I), lambda i: (0, 0)),
        ],
        out_specs=[
            pl.BlockSpec((bt, H), lambda i: (i, 0)),
            pl.BlockSpec((bt, H), lambda i: (i, 0)),
            pl.BlockSpec((bt,), lambda i: (i,)),
        ],
        out_shape=[
            jax.ShapeDtypeStruct((t, H), jnp.float32),
            jax.ShapeDtypeStruct((t, H), jnp.float32),
            jax.ShapeDtypeStruct((t,), jnp.int32),
        ],
    )(x, wg, wsg16, wsu16, wsd16)


def _dispatch_body(eid_ref, pos_ref, te_ref, tv_ref, oh_ref):
    t = eid_ref.shape[0]
    ntile = te_ref.shape[0]
    eid = eid_ref[...]
    cols = lax.broadcasted_iota(jnp.int32, (t, E), 1)
    oh_ref[...] = (eid[:, None] == cols).astype(jnp.float32)

    ch = 512
    r_i = lax.broadcasted_iota(jnp.int32, (ch, ch), 0)
    c_i = lax.broadcasted_iota(jnp.int32, (ch, ch), 1)
    lower = (c_i < r_i).astype(jnp.float32)

    def step(i, carry):
        oh = oh_ref[pl.ds(i * ch, ch), :]
        prior = lax.dot_general(lower, oh, (((1,), (0,)), ((), ())),
                                precision=lax.Precision.HIGHEST) + carry
        rank = jnp.sum(prior * oh, axis=1)
        pos_ref[pl.ds(i * ch, ch)] = rank.astype(jnp.int32)
        return carry + jnp.sum(oh, axis=0, keepdims=True)

    counts = lax.fori_loop(0, t // ch, step, jnp.zeros((1, E), jnp.float32))
    pc = ((counts.astype(jnp.int32) + (TM - 1)) // TM) * TM
    r64 = lax.broadcasted_iota(jnp.int32, (E, E), 0)
    c64 = lax.broadcasted_iota(jnp.int32, (E, E), 1)
    low64 = (c64 < r64).astype(jnp.float32)
    base = lax.dot_general(low64, pc.astype(jnp.float32).reshape(E, 1),
                           (((1,), (0,)), ((), ())),
                           precision=lax.Precision.HIGHEST)
    base_row = base.reshape(1, E)
    total = jnp.sum(pc)
    basesel = jnp.sum(oh_ref[...] * base_row, axis=1)
    pos_ref[...] = pos_ref[...] + basesel.astype(jnp.int32)
    starts = (lax.broadcasted_iota(jnp.int32, (ntile, E), 0) * TM)
    cmp = (base_row <= starts.astype(jnp.float32)).astype(jnp.int32)
    te_ref[...] = jnp.sum(cmp, axis=1) - 1
    tv_ref[...] = (jnp.min(starts, axis=1) < total).astype(jnp.int32)


def _dispatch(eid, ntile):
    t = eid.shape[0]
    return pl.pallas_call(
        _dispatch_body,
        out_shape=[
            jax.ShapeDtypeStruct((t,), jnp.int32),
            jax.ShapeDtypeStruct((ntile,), jnp.int32),
            jax.ShapeDtypeStruct((ntile,), jnp.int32),
        ],
        scratch_shapes=[pltpu.VMEM((t, E), jnp.float32)],
    )(eid)


def _sc_scatter(pos, xr, sh, pad_t):
    t, w = xr.shape
    cpw = t // NW
    cg = cpw // 2

    @functools.partial(
        pl.kernel,
        out_type=(
            jax.ShapeDtypeStruct((pad_t, w), jnp.float32),
            jax.ShapeDtypeStruct((pad_t, w), jnp.float32),
        ),
        mesh=_sc_mesh(),
        scratch_types=[
            pltpu.VMEM((cg,), jnp.int32),
            pltpu.VMEM((cg,), jnp.int32),
            pltpu.VMEM((cg, w), jnp.float32),
            pltpu.SemaphoreType.DMA,
        ],
    )
    def k(pos_hbm, xr_hbm, sh_hbm, xs_out, shp_out, idx_a, idx_b, buf, sem):
        wid = lax.axis_index("s") * NC + lax.axis_index("c")
        base = wid * cpw
        pltpu.sync_copy(pos_hbm.at[pl.ds(base, cg)], idx_a)
        pltpu.sync_copy(pos_hbm.at[pl.ds(base + cg, cg)], idx_b)
        for idx, off in ((idx_a, 0), (idx_b, cg)):
            pltpu.sync_copy(xr_hbm.at[pl.ds(base + off, cg)], buf)
            pltpu.async_copy(buf, xs_out.at[idx], sem).wait()
            pltpu.sync_copy(sh_hbm.at[pl.ds(base + off, cg)], buf)
            pltpu.async_copy(buf, shp_out.at[idx], sem).wait()

    return k(pos, xr, sh)


def _grouped_body(te_ref, tv_ref, xs_ref, wg_ref, wu_ref, wd_ref, shp_ref,
                  ys_ref):
    j = pl.program_id(0)

    @pl.when(tv_ref[j] != 0)
    def _():
        xs = xs_ref[...].astype(jnp.bfloat16)
        g = lax.dot_general(xs, wg_ref[0].astype(jnp.bfloat16), _CDIMS_T,
                            preferred_element_type=jnp.float32)
        u = lax.dot_general(xs, wu_ref[0].astype(jnp.bfloat16), _CDIMS_T,
                            preferred_element_type=jnp.float32)
        hh = (g * jax.nn.sigmoid(g) * u).astype(jnp.bfloat16)
        y = lax.dot_general(hh, wd_ref[0].astype(jnp.bfloat16), _CDIMS_T,
                            preferred_element_type=jnp.float32)
        ys_ref[...] = y + shp_ref[...]


def _grouped(te, tv, xs16, weg16, weu16, wed16, shp16, pad_t):
    ntile = pad_t // TM
    grid_spec = pltpu.PrefetchScalarGridSpec(
        num_scalar_prefetch=2,
        grid=(ntile,),
        in_specs=[
            pl.BlockSpec((TM, H), lambda j, te, tv: (j * tv[j], 0)),
            pl.BlockSpec((1, I, H), lambda j, te, tv: (te[j] * tv[j], 0, 0)),
            pl.BlockSpec((1, I, H), lambda j, te, tv: (te[j] * tv[j], 0, 0)),
            pl.BlockSpec((1, H, I), lambda j, te, tv: (te[j] * tv[j], 0, 0)),
            pl.BlockSpec((TM, H), lambda j, te, tv: (j * tv[j], 0)),
        ],
        out_specs=pl.BlockSpec(
            (TM, H),
            lambda j, te, tv: (j * tv[j] + (1 - tv[j]) * (pad_t // TM), 0)),
    )
    ys = pl.pallas_call(
        _grouped_body,
        grid_spec=grid_spec,
        out_shape=jax.ShapeDtypeStruct((pad_t + TM, H), jnp.float32),
        compiler_params=pltpu.CompilerParams(
            dimension_semantics=("arbitrary",)),
    )(te, tv, xs16, weg16, weu16, wed16, shp16)
    return ys


def _sc_gather(pos2, ys, t):
    nchunk, cg = pos2.shape[1], pos2.shape[2]

    @functools.partial(
        pl.kernel,
        out_type=jax.ShapeDtypeStruct((t, H), jnp.float32),
        mesh=_sc_mesh(),
        scratch_types=[
            pltpu.VMEM((nchunk, cg), jnp.int32),
            pltpu.VMEM((cg, H), jnp.float32),
            pltpu.SemaphoreType.DMA,
        ],
    )
    def k(pos_hbm, ys_hbm, out_hbm, idx_v, buf, sem):
        wid = lax.axis_index("s") * NC + lax.axis_index("c")
        pltpu.sync_copy(pos_hbm.at[wid], idx_v)
        for q in range(nchunk):
            pltpu.async_copy(ys_hbm.at[idx_v.at[q]], buf, sem).wait()
            pltpu.sync_copy(
                buf, out_hbm.at[pl.ds(wid * nchunk * cg + q * cg, cg)])

    return k(pos2, ys)


def kernel(hidden_states, Wg, Wsg, Wsu, Wsd, Weg, Weu, Wed):
    b, s, h = hidden_states.shape
    t = b * s
    pad_t = t + E * TM
    x = hidden_states.reshape(t, h)

    wsg16 = Wsg.astype(jnp.bfloat16)
    wsu16 = Wsu.astype(jnp.bfloat16)
    wsd16 = Wsd.astype(jnp.bfloat16)

    shared, xr, eid = _stage1(x, Wg, wsg16, wsu16, wsd16)
    pos, te, tv = _dispatch(eid, pad_t // TM)

    xs, shp = _sc_scatter(pos, xr, shared, pad_t)
    ys = _grouped(te, tv, xs, Weg, Weu, Wed, shp, pad_t)

    pos2 = pos.reshape(NW, 2, t // (2 * NW))
    out = _sc_gather(pos2, ys, t)
    return out.reshape(b, s, h)

# --- scband reference (transcript-rebuilt; emitter-appended) ---
"""Pipeline reference for scband-llama4-mo-e-71846212928055 (READ-ONLY COPY).

The authoritative reference and input builder live on the scoring server;
editing this copy changes nothing except your own understanding.
"""

import jax, jax.numpy as jnp
import numpy as np

E = 64
H = 1024
I = 512
NS = 1
B, S = 2, 2048

def _uniform(key, shape, fan_in):
    bound = 1.0 / np.sqrt(fan_in)
    return jax.random.uniform(key, shape, jnp.float32, -bound, bound)

def setup_inputs(seed: int = 0):
    key = jax.random.key(seed)
    ks = jax.random.split(key, 8)
    SI = I * NS
    return {
        "hidden_states": jax.random.normal(ks[0], (B, S, H), dtype=jnp.float32),
        "Wg": _uniform(ks[1], (E, H), H),
        "Wsg": _uniform(ks[2], (SI, H), H),
        "Wsu": _uniform(ks[3], (SI, H), H),
        "Wsd": _uniform(ks[4], (H, SI), SI),
        "Weg": _uniform(ks[5], (E, I, H), H),
        "Weu": _uniform(ks[6], (E, I, H), H),
        "Wed": _uniform(ks[7], (E, H, I), I),
    }

def reference(hidden_states, Wg, Wsg, Wsu, Wsd, Weg, Weu, Wed):
    b, s, h = hidden_states.shape
    x = hidden_states.reshape(-1, h)
    # shared experts: SwiGLU
    shared = (jax.nn.silu(x @ Wsg.T) * (x @ Wsu.T)) @ Wsd.T
    # router: top-1
    logits = x @ Wg.T
    topk_ids = jnp.argmax(logits, axis=-1)
    topk_w = jnp.take_along_axis(logits, topk_ids[:, None], axis=1)
    scores = jax.nn.sigmoid(topk_w)
    xr = x * scores
    num_experts = Weg.shape[0]

    def body(acc, ew):
        Wge, Wue, Wde, e = ew
        hgl = jax.nn.silu(xr @ Wge.T) * (xr @ Wue.T)
        ye = hgl @ Wde.T
        acc = jnp.where((topk_ids == e)[:, None], ye, acc)
        return acc, None

    routed, _ = jax.lax.scan(
        body,
        jnp.zeros_like(x),
        (Weg, Weu, Wed, jnp.arange(num_experts)),
    )
    return (shared + routed).reshape(b, s, h)

if __name__ == "__main__":
    import jax
    _d = setup_inputs()
    print(jax.jit(kernel)(*tuple(_d.values())))

</pallas_src>

<mosaic_0001>
#map = affine_map<(d0, d1) -> (0, 0, 0)>
#map1 = affine_map<(d0, d1) -> (0, 0)>
module attributes {stable_mosaic.version = 14 : i64} {
  func.func @k(%arg0: i32, %arg1: i32, %arg2: memref<32x2x64xi32, #tpu.memory_space<hbm>>, %arg3: memref<12416x1024xf32, #tpu.memory_space<hbm>>, %arg4: memref<4096x1024xf32, #tpu.memory_space<hbm>>, %arg5: memref<2x64xi32, #tpu.memory_space<vmem>>, %arg6: memref<64x1024xf32, #tpu.memory_space<vmem>>, %arg7: memref<!tpu.dma_semaphore, #tpu.memory_space<semaphore_mem>>) attributes {dimension_semantics = [#tpu.dimension_semantics<core_parallel>, #tpu.dimension_semantics<subcore_parallel>], iteration_bounds = array<i64: 2, 16>, scalar_prefetch = 0 : i64, scratch_operands = 3 : i64, tpu.core_type = #tpu.core_type<sc_vector_subcore>, window_params = [{transform_indices = #map}, {transform_indices = #map1}, {transform_indices = #map1}]} {
    %mul3A = arith.constant 2 : i32
    %mul3A_0 = arith.muli %arg1, %mul3A : i32
    %add3A = arith.addi %mul3A_0, %arg0 : i32
    "tpu.region"() ({
      %run_scoped3A = tpu.sem_alloc : memref<!tpu.dma_semaphore, #tpu.memory_space<semaphore_mem>>
      %dma_start3A_39 = arith.constant 0 : i32
      %dma_start3A_40 = arith.constant 0 : i32
      %dma_start3A_41 = tpu.memref_slice %arg2[%add3A, %dma_start3A_39, %dma_start3A_40] : memref<32x2x64xi32, #tpu.memory_space<hbm>> -> memref<1x2x64xi32, #tpu.memory_space<hbm>>
      %dma_start3A_42 = tpu.memref_squeeze %dma_start3A_41 : memref<1x2x64xi32, #tpu.memory_space<hbm>> -> memref<2x64xi32, #tpu.memory_space<hbm>>
      %dma_start3A_43 = arith.constant 0 : i32
      %dma_start3A_44 = arith.constant 0 : i32
      %dma_start3A_45 = tpu.memref_slice %arg2[%add3A, %dma_start3A_43, %dma_start3A_44] : memref<32x2x64xi32, #tpu.memory_space<hbm>> -> memref<1x2x64xi32, #tpu.memory_space<hbm>>
      %dma_start3A_46 = tpu.memref_squeeze %dma_start3A_45 : memref<1x2x64xi32, #tpu.memory_space<hbm>> -> memref<2x64xi32, #tpu.memory_space<hbm>>
      tpu.enqueue_dma source(%dma_start3A_46 : memref<2x64xi32, #tpu.memory_space<hbm>>) target(%arg5 : memref<2x64xi32, #tpu.memory_space<vmem>>) target_semaphore(%run_scoped3A : memref<!tpu.dma_semaphore, #tpu.memory_space<semaphore_mem>>)
      %dma_wait3A_47 = arith.constant 0 : i32
      %dma_wait3A_48 = arith.constant 0 : i32
      %dma_wait3A_49 = tpu.memref_slice %arg2[%add3A, %dma_wait3A_47, %dma_wait3A_48] : memref<32x2x64xi32, #tpu.memory_space<hbm>> -> memref<1x2x64xi32, #tpu.memory_space<hbm>>
      %dma_wait3A_50 = tpu.memref_squeeze %dma_wait3A_49 : memref<1x2x64xi32, #tpu.memory_space<hbm>> -> memref<2x64xi32, #tpu.memory_space<hbm>>
      %dma_wait3A_51 = arith.constant 0 : i32
      %dma_wait3A_52 = arith.constant 0 : i32
      %dma_wait3A_53 = tpu.memref_slice %arg2[%add3A, %dma_wait3A_51, %dma_wait3A_52] : memref<32x2x64xi32, #tpu.memory_space<hbm>> -> memref<1x2x64xi32, #tpu.memory_space<hbm>>
      %dma_wait3A_54 = tpu.memref_squeeze %dma_wait3A_53 : memref<1x2x64xi32, #tpu.memory_space<hbm>> -> memref<2x64xi32, #tpu.memory_space<hbm>>
      tpu.wait_dma2 semaphore(%run_scoped3A : memref<!tpu.dma_semaphore, #tpu.memory_space<semaphore_mem>>) src(%dma_wait3A_54 : memref<2x64xi32, #tpu.memory_space<hbm>>) dst(%arg5 : memref<2x64xi32, #tpu.memory_space<vmem>>)
      tpu.yield
    }) : () -> ()
    %dma_start3A = arith.constant 0 : i32
    %dma_start3A_1 = arith.constant 0 : i32
    %dma_start3A_2 = tpu.memref_slice %arg5[%dma_start3A, %dma_start3A_1] : memref<2x64xi32, #tpu.memory_space<vmem>> -> memref<1x64xi32, #tpu.memory_space<vmem>>
    %dma_start3A_3 = tpu.memref_squeeze %dma_start3A_2 : memref<1x64xi32, #tpu.memory_space<vmem>> -> memref<64xi32, #tpu.memory_space<vmem>>
    %dma_start3A_4 = arith.constant 0 : i32
    %dma_start3A_5 = arith.constant 0 : i32
    %dma_start3A_6 = tpu.memref_slice %arg3[%dma_start3A_4, %dma_start3A_5] : memref<12416x1024xf32, #tpu.memory_space<hbm>> -> memref<12416x1024xf32, #tpu.memory_space<hbm>>
    tpu.enqueue_indirect_dma source(%dma_start3A_6 : memref<12416x1024xf32, #tpu.memory_space<hbm>>) target(%arg6 : memref<64x1024xf32, #tpu.memory_space<vmem>>) offsets(%dma_start3A_3 : memref<64xi32, #tpu.memory_space<vmem>>) semaphore(%arg7 : memref<!tpu.dma_semaphore, #tpu.memory_space<semaphore_mem>>)
    %dma_wait3A = arith.constant 0 : i32
    %dma_wait3A_7 = arith.constant 0 : i32
    %dma_wait3A_8 = tpu.memref_slice %arg5[%dma_wait3A, %dma_wait3A_7] : memref<2x64xi32, #tpu.memory_space<vmem>> -> memref<1x64xi32, #tpu.memory_space<vmem>>
    %dma_wait3A_9 = tpu.memref_squeeze %dma_wait3A_8 : memref<1x64xi32, #tpu.memory_space<vmem>> -> memref<64xi32, #tpu.memory_space<vmem>>
    %dma_wait3A_10 = arith.constant 0 : i32
    %dma_wait3A_11 = arith.constant 0 : i32
    %dma_wait3A_12 = tpu.memref_slice %arg3[%dma_wait3A_10, %dma_wait3A_11] : memref<12416x1024xf32, #tpu.memory_space<hbm>> -> memref<12416x1024xf32, #tpu.memory_space<hbm>>
    tpu.wait_indirect_dma semaphore(%arg7 : memref<!tpu.dma_semaphore, #tpu.memory_space<semaphore_mem>>) src(%dma_wait3A_12 : memref<12416x1024xf32, #tpu.memory_space<hbm>>) dst(%arg6 : memref<64x1024xf32, #tpu.memory_space<vmem>>)
    %mul3A_13 = arith.constant 2 : i32
    %mul3A_14 = arith.muli %add3A, %mul3A_13 : i32
    %mul3A_15 = arith.constant 64 : i32
    %mul3A_16 = arith.muli %mul3A_14, %mul3A_15 : i32
    %add3A_17 = arith.constant 0 : i32
    %add3A_18 = arith.addi %mul3A_16, %add3A_17 : i32
    "tpu.region"() ({
      %run_scoped3A = tpu.sem_alloc : memref<!tpu.dma_semaphore, #tpu.memory_space<semaphore_mem>>
      %dma_start3A_39 = arith.constant 0 : i32
      %dma_start3A_40 = tpu.memref_slice %arg4[%add3A_18, %dma_start3A_39] : memref<4096x1024xf32, #tpu.memory_space<hbm>> -> memref<64x1024xf32, #tpu.memory_space<hbm>>
      %dma_start3A_41 = arith.constant 0 : i32
      %dma_start3A_42 = tpu.memref_slice %arg4[%add3A_18, %dma_start3A_41] : memref<4096x1024xf32, #tpu.memory_space<hbm>> -> memref<64x1024xf32, #tpu.memory_space<hbm>>
      tpu.enqueue_dma source(%arg6 : memref<64x1024xf32, #tpu.memory_space<vmem>>) target(%dma_start3A_42 : memref<64x1024xf32, #tpu.memory_space<hbm>>) target_semaphore(%run_scoped3A : memref<!tpu.dma_semaphore, #tpu.memory_space<semaphore_mem>>)
      %dma_wait3A_43 = arith.constant 0 : i32
      %dma_wait3A_44 = tpu.memref_slice %arg4[%add3A_18, %dma_wait3A_43] : memref<4096x1024xf32, #tpu.memory_space<hbm>> -> memref<64x1024xf32, #tpu.memory_space<hbm>>
      %dma_wait3A_45 = arith.constant 0 : i32
      %dma_wait3A_46 = tpu.memref_slice %arg4[%add3A_18, %dma_wait3A_45] : memref<4096x1024xf32, #tpu.memory_space<hbm>> -> memref<64x1024xf32, #tpu.memory_space<hbm>>
      tpu.wait_dma2 semaphore(%run_scoped3A : memref<!tpu.dma_semaphore, #tpu.memory_space<semaphore_mem>>) src(%arg6 : memref<64x1024xf32, #tpu.memory_space<vmem>>) dst(%dma_wait3A_46 : memref<64x1024xf32, #tpu.memory_space<hbm>>)
      tpu.yield
    }) : () -> ()
    %dma_start3A_19 = arith.constant 1 : i32
    %dma_start3A_20 = arith.constant 0 : i32
    %dma_start3A_21 = tpu.memref_slice %arg5[%dma_start3A_19, %dma_start3A_20] : memref<2x64xi32, #tpu.memory_space<vmem>> -> memref<1x64xi32, #tpu.memory_space<vmem>>
    %dma_start3A_22 = tpu.memref_squeeze %dma_start3A_21 : memref<1x64xi32, #tpu.memory_space<vmem>> -> memref<64xi32, #tpu.memory_space<vmem>>
    %dma_start3A_23 = arith.constant 0 : i32
    %dma_start3A_24 = arith.constant 0 : i32
    %dma_start3A_25 = tpu.memref_slice %arg3[%dma_start3A_23, %dma_start3A_24] : memref<12416x1024xf32, #tpu.memory_space<hbm>> -> memref<12416x1024xf32, #tpu.memory_space<hbm>>
    tpu.enqueue_indirect_dma source(%dma_start3A_25 : memref<12416x1024xf32, #tpu.memory_space<hbm>>) target(%arg6 : memref<64x1024xf32, #tpu.memory_space<vmem>>) offsets(%dma_start3A_22 : memref<64xi32, #tpu.memory_space<vmem>>) semaphore(%arg7 : memref<!tpu.dma_semaphore, #tpu.memory_space<semaphore_mem>>)
    %dma_wait3A_26 = arith.constant 1 : i32
    %dma_wait3A_27 = arith.constant 0 : i32
    %dma_wait3A_28 = tpu.memref_slice %arg5[%dma_wait3A_26, %dma_wait3A_27] : memref<2x64xi32, #tpu.memory_space<vmem>> -> memref<1x64xi32, #tpu.memory_space<vmem>>
    %dma_wait3A_29 = tpu.memref_squeeze %dma_wait3A_28 : memref<1x64xi32, #tpu.memory_space<vmem>> -> memref<64xi32, #tpu.memory_space<vmem>>
    %dma_wait3A_30 = arith.constant 0 : i32
    %dma_wait3A_31 = arith.constant 0 : i32
    %dma_wait3A_32 = tpu.memref_slice %arg3[%dma_wait3A_30, %dma_wait3A_31] : memref<12416x1024xf32, #tpu.memory_space<hbm>> -> memref<12416x1024xf32, #tpu.memory_space<hbm>>
    tpu.wait_indirect_dma semaphore(%arg7 : memref<!tpu.dma_semaphore, #tpu.memory_space<semaphore_mem>>) src(%dma_wait3A_32 : memref<12416x1024xf32, #tpu.memory_space<hbm>>) dst(%arg6 : memref<64x1024xf32, #tpu.memory_space<vmem>>)
    %mul3A_33 = arith.constant 2 : i32
    %mul3A_34 = arith.muli %add3A, %mul3A_33 : i32
    %mul3A_35 = arith.constant 64 : i32
    %mul3A_36 = arith.muli %mul3A_34, %mul3A_35 : i32
    %add3A_37 = arith.constant 64 : i32
    %add3A_38 = arith.addi %mul3A_36, %add3A_37 : i32
    "tpu.region"() ({
      %run_scoped3A = tpu.sem_alloc : memref<!tpu.dma_semaphore, #tpu.memory_space<semaphore_mem>>
      %dma_start3A_39 = arith.constant 0 : i32
      %dma_start3A_40 = tpu.memref_slice %arg4[%add3A_38, %dma_start3A_39] : memref<4096x1024xf32, #tpu.memory_space<hbm>> -> memref<64x1024xf32, #tpu.memory_space<hbm>>
      %dma_start3A_41 = arith.constant 0 : i32
      %dma_start3A_42 = tpu.memref_slice %arg4[%add3A_38, %dma_start3A_41] : memref<4096x1024xf32, #tpu.memory_space<hbm>> -> memref<64x1024xf32, #tpu.memory_space<hbm>>
      tpu.enqueue_dma source(%arg6 : memref<64x1024xf32, #tpu.memory_space<vmem>>) target(%dma_start3A_42 : memref<64x1024xf32, #tpu.memory_space<hbm>>) target_semaphore(%run_scoped3A : memref<!tpu.dma_semaphore, #tpu.memory_space<semaphore_mem>>)
      %dma_wait3A_43 = arith.constant 0 : i32
      %dma_wait3A_44 = tpu.memref_slice %arg4[%add3A_38, %dma_wait3A_43] : memref<4096x1024xf32, #tpu.memory_space<hbm>> -> memref<64x1024xf32, #tpu.memory_space<hbm>>
      %dma_wait3A_45 = arith.constant 0 : i32
      %dma_wait3A_46 = tpu.memref_slice %arg4[%add3A_38, %dma_wait3A_45] : memref<4096x1024xf32, #tpu.memory_space<hbm>> -> memref<64x1024xf32, #tpu.memory_space<hbm>>
      tpu.wait_dma2 semaphore(%run_scoped3A : memref<!tpu.dma_semaphore, #tpu.memory_space<semaphore_mem>>) src(%arg6 : memref<64x1024xf32, #tpu.memory_space<vmem>>) dst(%dma_wait3A_46 : memref<64x1024xf32, #tpu.memory_space<hbm>>)
      tpu.yield
    }) : () -> ()
    return
  }
}

#map = affine_map<(d0, d1) -> (0)>
#map1 = affine_map<(d0, d1) -> (0, 0)>
module attributes {stable_mosaic.version = 14 : i64} {
  func.func @k(%arg0: i32, %arg1: i32, %arg2: memref<4096xi32, #tpu.memory_space<hbm>>, %arg3: memref<4096x1024xf32, #tpu.memory_space<hbm>>, %arg4: memref<4096x1024xf32, #tpu.memory_space<hbm>>, %arg5: memref<12288x1024xf32, #tpu.memory_space<hbm>>, %arg6: memref<12288x1024xf32, #tpu.memory_space<hbm>>, %arg7: memref<64xi32, #tpu.memory_space<vmem>>, %arg8: memref<64xi32, #tpu.memory_space<vmem>>, %arg9: memref<64x1024xf32, #tpu.memory_space<vmem>>, %arg10: memref<!tpu.dma_semaphore, #tpu.memory_space<semaphore_mem>>) attributes {dimension_semantics = [#tpu.dimension_semantics<core_parallel>, #tpu.dimension_semantics<subcore_parallel>], iteration_bounds = array<i64: 2, 16>, scalar_prefetch = 0 : i64, scratch_operands = 4 : i64, tpu.core_type = #tpu.core_type<sc_vector_subcore>, window_params = [{transform_indices = #map}, {transform_indices = #map1}, {transform_indices = #map1}, {transform_indices = #map1}, {transform_indices = #map1}]} {
    %mul3A = arith.constant 2 : i32
    %mul3A_0 = arith.muli %arg1, %mul3A : i32
    %add3A = arith.addi %mul3A_0, %arg0 : i32
    %mul3A_1 = arith.constant 128 : i32
    %mul3A_2 = arith.muli %add3A, %mul3A_1 : i32
    "tpu.region"() ({
      %run_scoped3A = tpu.sem_alloc : memref<!tpu.dma_semaphore, #tpu.memory_space<semaphore_mem>>
      %dma_start3A_35 = tpu.memref_slice %arg2[%mul3A_2] : memref<4096xi32, #tpu.memory_space<hbm>> -> memref<64xi32, #tpu.memory_space<hbm>>
      %dma_start3A_36 = tpu.memref_slice %arg2[%mul3A_2] : memref<4096xi32, #tpu.memory_space<hbm>> -> memref<64xi32, #tpu.memory_space<hbm>>
      tpu.enqueue_dma source(%dma_start3A_36 : memref<64xi32, #tpu.memory_space<hbm>>) target(%arg7 : memref<64xi32, #tpu.memory_space<vmem>>) target_semaphore(%run_scoped3A : memref<!tpu.dma_semaphore, #tpu.memory_space<semaphore_mem>>)
      %dma_wait3A_37 = tpu.memref_slice %arg2[%mul3A_2] : memref<4096xi32, #tpu.memory_space<hbm>> -> memref<64xi32, #tpu.memory_space<hbm>>
      %dma_wait3A_38 = tpu.memref_slice %arg2[%mul3A_2] : memref<4096xi32, #tpu.memory_space<hbm>> -> memref<64xi32, #tpu.memory_space<hbm>>
      tpu.wait_dma2 semaphore(%run_scoped3A : memref<!tpu.dma_semaphore, #tpu.memory_space<semaphore_mem>>) src(%dma_wait3A_38 : memref<64xi32, #tpu.memory_space<hbm>>) dst(%arg7 : memref<64xi32, #tpu.memory_space<vmem>>)
      tpu.yield
    }) : () -> ()
    %add3A_3 = arith.constant 64 : i32
    %add3A_4 = arith.addi %mul3A_2, %add3A_3 : i32
    "tpu.region"() ({
      %run_scoped3A = tpu.sem_alloc : memref<!tpu.dma_semaphore, #tpu.memory_space<semaphore_mem>>
      %dma_start3A_35 = tpu.memref_slice %arg2[%add3A_4] : memref<4096xi32, #tpu.memory_space<hbm>> -> memref<64xi32, #tpu.memory_space<hbm>>
      %dma_start3A_36 = tpu.memref_slice %arg2[%add3A_4] : memref<4096xi32, #tpu.memory_space<hbm>> -> memref<64xi32, #tpu.memory_space<hbm>>
      tpu.enqueue_dma source(%dma_start3A_36 : memref<64xi32, #tpu.memory_space<hbm>>) target(%arg8 : memref<64xi32, #tpu.memory_space<vmem>>) target_semaphore(%run_scoped3A : memref<!tpu.dma_semaphore, #tpu.memory_space<semaphore_mem>>)
      %dma_wait3A_37 = tpu.memref_slice %arg2[%add3A_4] : memref<4096xi32, #tpu.memory_space<hbm>> -> memref<64xi32, #tpu.memory_space<hbm>>
      %dma_wait3A_38 = tpu.memref_slice %arg2[%add3A_4] : memref<4096xi32, #tpu.memory_space<hbm>> -> memref<64xi32, #tpu.memory_space<hbm>>
      tpu.wait_dma2 semaphore(%run_scoped3A : memref<!tpu.dma_semaphore, #tpu.memory_space<semaphore_mem>>) src(%dma_wait3A_38 : memref<64xi32, #tpu.memory_space<hbm>>) dst(%arg8 : memref<64xi32, #tpu.memory_space<vmem>>)
      tpu.yield
    }) : () -> ()
    %add3A_5 = arith.constant 0 : i32
    %add3A_6 = arith.addi %mul3A_2, %add3A_5 : i32
    "tpu.region"() ({
      %run_scoped3A = tpu.sem_alloc : memref<!tpu.dma_semaphore, #tpu.memory_space<semaphore_mem>>
      %dma_start3A_35 = arith.constant 0 : i32
      %dma_start3A_36 = tpu.memref_slice %arg3[%add3A_6, %dma_start3A_35] : memref<4096x1024xf32, #tpu.memory_space<hbm>> -> memref<64x1024xf32, #tpu.memory_space<hbm>>
      %dma_start3A_37 = arith.constant 0 : i32
      %dma_start3A_38 = tpu.memref_slice %arg3[%add3A_6, %dma_start3A_37] : memref<4096x1024xf32, #tpu.memory_space<hbm>> -> memref<64x1024xf32, #tpu.memory_space<hbm>>
      tpu.enqueue_dma source(%dma_start3A_38 : memref<64x1024xf32, #tpu.memory_space<hbm>>) target(%arg9 : memref<64x1024xf32, #tpu.memory_space<vmem>>) target_semaphore(%run_scoped3A : memref<!tpu.dma_semaphore, #tpu.memory_space<semaphore_mem>>)
      %dma_wait3A_39 = arith.constant 0 : i32
      %dma_wait3A_40 = tpu.memref_slice %arg3[%add3A_6, %dma_wait3A_39] : memref<4096x1024xf32, #tpu.memory_space<hbm>> -> memref<64x1024xf32, #tpu.memory_space<hbm>>
      %dma_wait3A_41 = arith.constant 0 : i32
      %dma_wait3A_42 = tpu.memref_slice %arg3[%add3A_6, %dma_wait3A_41] : memref<4096x1024xf32, #tpu.memory_space<hbm>> -> memref<64x1024xf32, #tpu.memory_space<hbm>>
      tpu.wait_dma2 semaphore(%run_scoped3A : memref<!tpu.dma_semaphore, #tpu.memory_space<semaphore_mem>>) src(%dma_wait3A_42 : memref<64x1024xf32, #tpu.memory_space<hbm>>) dst(%arg9 : memref<64x1024xf32, #tpu.memory_space<vmem>>)
      tpu.yield
    }) : () -> ()
    %dma_start3A = arith.constant 0 : i32
    %dma_start3A_7 = arith.constant 0 : i32
    %dma_start3A_8 = tpu.memref_slice %arg5[%dma_start3A, %dma_start3A_7] : memref<12288x1024xf32, #tpu.memory_space<hbm>> -> memref<12288x1024xf32, #tpu.memory_space<hbm>>
    tpu.enqueue_indirect_dma source(%arg9 : memref<64x1024xf32, #tpu.memory_space<vmem>>) target(%dma_start3A_8 : memref<12288x1024xf32, #tpu.memory_space<hbm>>) offsets(%arg7 : memref<64xi32, #tpu.memory_space<vmem>>) semaphore(%arg10 : memref<!tpu.dma_semaphore, #tpu.memory_space<semaphore_mem>>)
    %dma_wait3A = arith.constant 0 : i32
    %dma_wait3A_9 = arith.constant 0 : i32
    %dma_wait3A_10 = tpu.memref_slice %arg5[%dma_wait3A, %dma_wait3A_9] : memref<12288x1024xf32, #tpu.memory_space<hbm>> -> memref<12288x1024xf32, #tpu.memory_space<hbm>>
    tpu.wait_indirect_dma semaphore(%arg10 : memref<!tpu.dma_semaphore, #tpu.memory_space<semaphore_mem>>) src(%arg9 : memref<64x1024xf32, #tpu.memory_space<vmem>>) dst(%dma_wait3A_10 : memref<12288x1024xf32, #tpu.memory_space<hbm>>)
    %add3A_11 = arith.constant 0 : i32
    %add3A_12 = arith.addi %mul3A_2, %add3A_11 : i32
    "tpu.region"() ({
      %run_scoped3A = tpu.sem_alloc : memref<!tpu.dma_semaphore, #tpu.memory_space<semaphore_mem>>
      %dma_start3A_35 = arith.constant 0 : i32
      %dma_start3A_36 = tpu.memref_slice %arg4[%add3A_12, %dma_start3A_35] : memref<4096x1024xf32, #tpu.memory_space<hbm>> -> memref<64x1024xf32, #tpu.memory_space<hbm>>
      %dma_start3A_37 = arith.constant 0 : i32
      %dma_start3A_38 = tpu.memref_slice %arg4[%add3A_12, %dma_start3A_37] : memref<4096x1024xf32, #tpu.memory_space<hbm>> -> memref<64x1024xf32, #tpu.memory_space<hbm>>
      tpu.enqueue_dma source(%dma_start3A_38 : memref<64x1024xf32, #tpu.memory_space<hbm>>) target(%arg9 : memref<64x1024xf32, #tpu.memory_space<vmem>>) target_semaphore(%run_scoped3A : memref<!tpu.dma_semaphore, #tpu.memory_space<semaphore_mem>>)
      %dma_wait3A_39 = arith.constant 0 : i32
      %dma_wait3A_40 = tpu.memref_slice %arg4[%add3A_12, %dma_wait3A_39] : memref<4096x1024xf32, #tpu.memory_space<hbm>> -> memref<64x1024xf32, #tpu.memory_space<hbm>>
      %dma_wait3A_41 = arith.constant 0 : i32
      %dma_wait3A_42 = tpu.memref_slice %arg4[%add3A_12, %dma_wait3A_41] : memref<4096x1024xf32, #tpu.memory_space<hbm>> -> memref<64x1024xf32, #tpu.memory_space<hbm>>
      tpu.wait_dma2 semaphore(%run_scoped3A : memref<!tpu.dma_semaphore, #tpu.memory_space<semaphore_mem>>) src(%dma_wait3A_42 : memref<64x1024xf32, #tpu.memory_space<hbm>>) dst(%arg9 : memref<64x1024xf32, #tpu.memory_space<vmem>>)
      tpu.yield
    }) : () -> ()
    %dma_start3A_13 = arith.constant 0 : i32
    %dma_start3A_14 = arith.constant 0 : i32
    %dma_start3A_15 = tpu.memref_slice %arg6[%dma_start3A_13, %dma_start3A_14] : memref<12288x1024xf32, #tpu.memory_space<hbm>> -> memref<12288x1024xf32, #tpu.memory_space<hbm>>
    tpu.enqueue_indirect_dma source(%arg9 : memref<64x1024xf32, #tpu.memory_space<vmem>>) target(%dma_start3A_15 : memref<12288x1024xf32, #tpu.memory_space<hbm>>) offsets(%arg7 : memref<64xi32, #tpu.memory_space<vmem>>) semaphore(%arg10 : memref<!tpu.dma_semaphore, #tpu.memory_space<semaphore_mem>>)
    %dma_wait3A_16 = arith.constant 0 : i32
    %dma_wait3A_17 = arith.constant 0 : i32
    %dma_wait3A_18 = tpu.memref_slice %arg6[%dma_wait3A_16, %dma_wait3A_17] : memref<12288x1024xf32, #tpu.memory_space<hbm>> -> memref<12288x1024xf32, #tpu.memory_space<hbm>>
    tpu.wait_indirect_dma semaphore(%arg10 : memref<!tpu.dma_semaphore, #tpu.memory_space<semaphore_mem>>) src(%arg9 : memref<64x1024xf32, #tpu.memory_space<vmem>>) dst(%dma_wait3A_18 : memref<12288x1024xf32, #tpu.memory_space<hbm>>)
    %add3A_19 = arith.constant 64 : i32
    %add3A_20 = arith.addi %mul3A_2, %add3A_19 : i32
    "tpu.region"() ({
      %run_scoped3A = tpu.sem_alloc : memref<!tpu.dma_semaphore, #tpu.memory_space<semaphore_mem>>
      %dma_start3A_35 = arith.constant 0 : i32
      %dma_start3A_36 = tpu.memref_slice %arg3[%add3A_20, %dma_start3A_35] : memref<4096x1024xf32, #tpu.memory_space<hbm>> -> memref<64x1024xf32, #tpu.memory_space<hbm>>
      %dma_start3A_37 = arith.constant 0 : i32
      %dma_start3A_38 = tpu.memref_slice %arg3[%add3A_20, %dma_start3A_37] : memref<4096x1024xf32, #tpu.memory_space<hbm>> -> memref<64x1024xf32, #tpu.memory_space<hbm>>
      tpu.enqueue_dma source(%dma_start3A_38 : memref<64x1024xf32, #tpu.memory_space<hbm>>) target(%arg9 : memref<64x1024xf32, #tpu.memory_space<vmem>>) target_semaphore(%run_scoped3A : memref<!tpu.dma_semaphore, #tpu.memory_space<semaphore_mem>>)
      %dma_wait3A_39 = arith.constant 0 : i32
      %dma_wait3A_40 = tpu.memref_slice %arg3[%add3A_20, %dma_wait3A_39] : memref<4096x1024xf32, #tpu.memory_space<hbm>> -> memref<64x1024xf32, #tpu.memory_space<hbm>>
      %dma_wait3A_41 = arith.constant 0 : i32
      %dma_wait3A_42 = tpu.memref_slice %arg3[%add3A_20, %dma_wait3A_41] : memref<4096x1024xf32, #tpu.memory_space<hbm>> -> memref<64x1024xf32, #tpu.memory_space<hbm>>
      tpu.wait_dma2 semaphore(%run_scoped3A : memref<!tpu.dma_semaphore, #tpu.memory_space<semaphore_mem>>) src(%dma_wait3A_42 : memref<64x1024xf32, #tpu.memory_space<hbm>>) dst(%arg9 : memref<64x1024xf32, #tpu.memory_space<vmem>>)
      tpu.yield
    }) : () -> ()
    %dma_start3A_21 = arith.constant 0 : i32
    %dma_start3A_22 = arith.constant 0 : i32
    %dma_start3A_23 = tpu.memref_slice %arg5[%dma_start3A_21, %dma_start3A_22] : memref<12288x1024xf32, #tpu.memory_space<hbm>> -> memref<12288x1024xf32, #tpu.memory_space<hbm>>
    tpu.enqueue_indirect_dma source(%arg9 : memref<64x1024xf32, #tpu.memory_space<vmem>>) target(%dma_start3A_23 : memref<12288x1024xf32, #tpu.memory_space<hbm>>) offsets(%arg8 : memref<64xi32, #tpu.memory_space<vmem>>) semaphore(%arg10 : memref<!tpu.dma_semaphore, #tpu.memory_space<semaphore_mem>>)
    %dma_wait3A_24 = arith.constant 0 : i32
    %dma_wait3A_25 = arith.constant 0 : i32
    %dma_wait3A_26 = tpu.memref_slice %arg5[%dma_wait3A_24, %dma_wait3A_25] : memref<12288x1024xf32, #tpu.memory_space<hbm>> -> memref<12288x1024xf32, #tpu.memory_space<hbm>>
    tpu.wait_indirect_dma semaphore(%arg10 : memref<!tpu.dma_semaphore, #tpu.memory_space<semaphore_mem>>) src(%arg9 : memref<64x1024xf32, #tpu.memory_space<vmem>>) dst(%dma_wait3A_26 : memref<12288x1024xf32, #tpu.memory_space<hbm>>)
    %add3A_27 = arith.constant 64 : i32
    %add3A_28 = arith.addi %mul3A_2, %add3A_27 : i32
    "tpu.region"() ({
      %run_scoped3A = tpu.sem_alloc : memref<!tpu.dma_semaphore, #tpu.memory_space<semaphore_mem>>
      %dma_start3A_35 = arith.constant 0 : i32
      %dma_start3A_36 = tpu.memref_slice %arg4[%add3A_28, %dma_start3A_35] : memref<4096x1024xf32, #tpu.memory_space<hbm>> -> memref<64x1024xf32, #tpu.memory_space<hbm>>
      %dma_start3A_37 = arith.constant 0 : i32
      %dma_start3A_38 = tpu.memref_slice %arg4[%add3A_28, %dma_start3A_37] : memref<4096x1024xf32, #tpu.memory_space<hbm>> -> memref<64x1024xf32, #tpu.memory_space<hbm>>
      tpu.enqueue_dma source(%dma_start3A_38 : memref<64x1024xf32, #tpu.memory_space<hbm>>) target(%arg9 : memref<64x1024xf32, #tpu.memory_space<vmem>>) target_semaphore(%run_scoped3A : memref<!tpu.dma_semaphore, #tpu.memory_space<semaphore_mem>>)
      %dma_wait3A_39 = arith.constant 0 : i32
      %dma_wait3A_40 = tpu.memref_slice %arg4[%add3A_28, %dma_wait3A_39] : memref<4096x1024xf32, #tpu.memory_space<hbm>> -> memref<64x1024xf32, #tpu.memory_space<hbm>>
      %dma_wait3A_41 = arith.constant 0 : i32
      %dma_wait3A_42 = tpu.memref_slice %arg4[%add3A_28, %dma_wait3A_41] : memref<4096x1024xf32, #tpu.memory_space<hbm>> -> memref<64x1024xf32, #tpu.memory_space<hbm>>
      tpu.wait_dma2 semaphore(%run_scoped3A : memref<!tpu.dma_semaphore, #tpu.memory_space<semaphore_mem>>) src(%dma_wait3A_42 : memref<64x1024xf32, #tpu.memory_space<hbm>>) dst(%arg9 : memref<64x1024xf32, #tpu.memory_space<vmem>>)
      tpu.yield
    }) : () -> ()
    %dma_start3A_29 = arith.constant 0 : i32
    %dma_start3A_30 = arith.constant 0 : i32
    %dma_start3A_31 = tpu.memref_slice %arg6[%dma_start3A_29, %dma_start3A_30] : memref<12288x1024xf32, #tpu.memory_space<hbm>> -> memref<12288x1024xf32, #tpu.memory_space<hbm>>
    tpu.enqueue_indirect_dma source(%arg9 : memref<64x1024xf32, #tpu.memory_space<vmem>>) target(%dma_start3A_31 : memref<12288x1024xf32, #tpu.memory_space<hbm>>) offsets(%arg8 : memref<64xi32, #tpu.memory_space<vmem>>) semaphore(%arg10 : memref<!tpu.dma_semaphore, #tpu.memory_space<semaphore_mem>>)
    %dma_wait3A_32 = arith.constant 0 : i32
    %dma_wait3A_33 = arith.constant 0 : i32
    %dma_wait3A_34 = tpu.memref_slice %arg6[%dma_wait3A_32, %dma_wait3A_33] : memref<12288x1024xf32, #tpu.memory_space<hbm>> -> memref<12288x1024xf32, #tpu.memory_space<hbm>>
    tpu.wait_indirect_dma semaphore(%arg10 : memref<!tpu.dma_semaphore, #tpu.memory_space<semaphore_mem>>) src(%arg9 : memref<64x1024xf32, #tpu.memory_space<vmem>>) dst(%dma_wait3A_34 : memref<12288x1024xf32, #tpu.memory_space<hbm>>)
    return
  }
}

module attributes {stable_mosaic.version = 14 : i64} {
  func.func @_dispatch_body(%arg0: memref<4096xi32, #tpu.memory_space<vmem>>, %arg1: memref<4096xi32, #tpu.memory_space<vmem>>, %arg2: memref<96xi32, #tpu.memory_space<vmem>>, %arg3: memref<96xi32, #tpu.memory_space<vmem>>, %arg4: memref<4096x64xf32, #tpu.memory_space<vmem>>) attributes {dimension_semantics = [], scalar_prefetch = 0 : i64, scratch_operands = 1 : i64, tpu.core_type = #tpu.core_type<tc>} {
    %get3A = arith.constant 0 : index
    %get3A_0 = vector.load %arg0[%get3A] : memref<4096xi32, #tpu.memory_space<vmem>>, vector<4096xi32>
    %iota3A = tpu.iota {dimensions = array<i32: 1>} : vector<4096x64xi32>
    %broadcast_in_dim3A = vector.shape_cast %get3A_0 : vector<4096xi32> to vector<4096x1xi32>
    %eq3A = vector.broadcast %broadcast_in_dim3A : vector<4096x1xi32> to vector<4096x64xi32>
    %eq3A_1 = arith.cmpi eq, %eq3A, %iota3A : vector<4096x64xi32>
    %convert_element_type3A = arith.extui %eq3A_1 : vector<4096x64xi1> to vector<4096x64xi32>
    %convert_element_type3A_2 = arith.sitofp %convert_element_type3A : vector<4096x64xi32> to vector<4096x64xf32>
    %swap3A = arith.constant 0 : index
    %swap3A_3 = arith.constant 0 : index
    %swap3A_4 = vector.load %arg4[%swap3A, %swap3A_3] : memref<4096x64xf32, #tpu.memory_space<vmem>>, vector<4096x64xf32>
    tpu.vector_store %arg4[%swap3A, %swap3A_3], %convert_element_type3A_2 {strides = array<i32>} : memref<4096x64xf32, #tpu.memory_space<vmem>>, vector<4096x64xf32>,
    %iota3A_5 = tpu.iota {dimensions = array<i32: 0>} : vector<512x512xi32>
    %iota3A_6 = tpu.iota {dimensions = array<i32: 1>} : vector<512x512xi32>
    %lt3A = arith.cmpi slt, %iota3A_6, %iota3A_5 : vector<512x512xi32>
    %convert_element_type3A_7 = arith.extui %lt3A : vector<512x512xi1> to vector<512x512xi32>
    %convert_element_type3A_8 = arith.sitofp %convert_element_type3A_7 : vector<512x512xi32> to vector<512x512xf32>
    %broadcast_in_dim3A_9 = arith.constant 0.000000e+00 : f32
    %broadcast_in_dim3A_10 = vector.broadcast %broadcast_in_dim3A_9 : f32 to vector<1x64xf32>
    %scan3A = arith.constant 0 : i32
    %scan3A_11 = arith.constant 8 : i32
    %scan3A_12 = arith.addi %scan3A, %scan3A_11 : i32
    %scan3A_13 = arith.constant 1 : i32
    %scan3A_14 = scf.for %scan3A_89 = %scan3A to %scan3A_12 step %scan3A_13 iter_args(%scan3A_90 = %broadcast_in_dim3A_10) -> (vector<1x64xf32>)  : i32 {
      %mul3A_91 = arith.constant 512 : i32
      %mul3A_92 = arith.muli %scan3A_89, %mul3A_91 : i32
      %get3A_93 = arith.index_cast %mul3A_92 : i32 to index
      %get3A_94 = arith.constant 0 : index
      %get3A_95 = vector.load %arg4[%get3A_93, %get3A_94] : memref<4096x64xf32, #tpu.memory_space<vmem>>, vector<512x64xf32>
      %dot_general3A_96 = arith.constant dense<0.000000e+00> : vector<512x64xf32>
      %dot_general3A_97 = tpu.matmul %convert_element_type3A_8, %get3A_95, %dot_general3A_96 {dimension_numbers = #tpu.dot_dimension_numbers<[1], [0], [0], [1], [0, 0, 1, 1], [], []>, precision = #tpu.contract_precision<fp32>, transpose_lhs_hint = false} : vector<512x512xf32>, vector<512x64xf32>, vector<512x64xf32> -> vector<512x64xf32>
      %add3A_98 = vector.broadcast %scan3A_90 : vector<1x64xf32> to vector<512x64xf32>
      %add3A_99 = arith.addf %dot_general3A_97, %add3A_98 : vector<512x64xf32>
      %mul3A_100 = arith.mulf %add3A_99, %get3A_95 : vector<512x64xf32>
      %reduce_sum3A_101 = arith.constant dense<0.000000e+00> : vector<512xf32>
      %reduce_sum3A_102 = vector.multi_reduction <add>, %mul3A_100, %reduce_sum3A_101 [1] : vector<512x64xf32> to vector<512xf32>
      %convert_element_type3A_103 = arith.fptosi %reduce_sum3A_102 : vector<512xf32> to vector<512xi32>
      %mul3A_104 = arith.constant 512 : i32
      %mul3A_105 = arith.muli %scan3A_89, %mul3A_104 : i32
      %swap3A_106 = arith.index_cast %mul3A_105 : i32 to index
      %swap3A_107 = vector.load %arg1[%swap3A_106] : memref<4096xi32, #tpu.memory_space<vmem>>, vector<512xi32>
      tpu.vector_store %arg1[%swap3A_106], %convert_element_type3A_103 {strides = array<i32>} : memref<4096xi32, #tpu.memory_space<vmem>>, vector<512xi32>,
      %reduce_sum3A_108 = arith.constant dense<0.000000e+00> : vector<64xf32>
      %reduce_sum3A_109 = vector.multi_reduction <add>, %get3A_95, %reduce_sum3A_108 [0] : vector<512x64xf32> to vector<64xf32>
      %broadcast_in_dim3A_110 = vector.shape_cast %reduce_sum3A_109 : vector<64xf32> to vector<1x64xf32>
      %add3A_111 = arith.addf %scan3A_90, %broadcast_in_dim3A_110 : vector<1x64xf32>
      scf.yield %add3A_111 : vector<1x64xf32>
    }
    %scan3A_15 = arith.constant 8 : i32
    %convert_element_type3A_16 = arith.fptosi %scan3A_14 : vector<1x64xf32> to vector<1x64xi32>
    %add3A = arith.constant 127 : i32
    %add3A_17 = vector.broadcast %add3A : i32 to vector<1x64xi32>
    %add3A_18 = arith.addi %convert_element_type3A_16, %add3A_17 : vector<1x64xi32>
    %jit3A = arith.constant 128 : i32
    %div3A = vector.broadcast %jit3A : i32 to vector<1x64xi32>
    %div3A_19 = arith.divsi %add3A_18, %div3A : vector<1x64xi32>
    %sign3A = arith.constant 0 : i32
    %sign3A_20 = vector.broadcast %sign3A : i32 to vector<1x64xi32>
    %sign3A_21 = arith.cmpi sgt, %add3A_18, %sign3A_20 : vector<1x64xi32>
    %sign3A_22 = arith.extui %sign3A_21 : vector<1x64xi1> to vector<1x64xi32>
    %sign3A_23 = arith.constant 0 : i32
    %sign3A_24 = vector.broadcast %sign3A_23 : i32 to vector<1x64xi32>
    %sign3A_25 = arith.cmpi slt, %add3A_18, %sign3A_24 : vector<1x64xi32>
    %sign3A_26 = arith.extui %sign3A_25 : vector<1x64xi1> to vector<1x64xi32>
    %sign3A_27 = arith.subi %sign3A_22, %sign3A_26 : vector<1x64xi32>
    %sign3A_28 = arith.constant 0 : i32
    %sign3A_29 = arith.cmpi sgt, %jit3A, %sign3A_28 : i32
    %sign3A_30 = arith.extui %sign3A_29 : i1 to i32
    %sign3A_31 = arith.constant 0 : i32
    %sign3A_32 = arith.cmpi slt, %jit3A, %sign3A_31 : i32
    %sign3A_33 = arith.extui %sign3A_32 : i1 to i32
    %sign3A_34 = arith.subi %sign3A_30, %sign3A_33 : i32
    %ne3A = vector.broadcast %sign3A_34 : i32 to vector<1x64xi32>
    %ne3A_35 = arith.cmpi ne, %sign3A_27, %ne3A : vector<1x64xi32>
    %rem3A = vector.broadcast %jit3A : i32 to vector<1x64xi32>
    %rem3A_36 = arith.remsi %add3A_18, %rem3A : vector<1x64xi32>
    %ne3A_37 = arith.constant 0 : i32
    %ne3A_38 = vector.broadcast %ne3A_37 : i32 to vector<1x64xi32>
    %ne3A_39 = arith.cmpi ne, %rem3A_36, %ne3A_38 : vector<1x64xi32>
    %and3A = arith.andi %ne3A_35, %ne3A_39 : vector<1x64xi1>
    %sub3A = arith.constant 1 : i32
    %sub3A_40 = vector.broadcast %sub3A : i32 to vector<1x64xi32>
    %sub3A_41 = arith.subi %div3A_19, %sub3A_40 : vector<1x64xi32>
    %select_n3A = arith.select %and3A, %sub3A_41, %div3A_19 : vector<1x64xi1>, vector<1x64xi32>
    %mul3A = arith.constant 128 : i32
    %mul3A_42 = vector.broadcast %mul3A : i32 to vector<1x64xi32>
    %mul3A_43 = arith.muli %select_n3A, %mul3A_42 : vector<1x64xi32>
    %iota3A_44 = tpu.iota {dimensions = array<i32: 0>} : vector<64x64xi32>
    %iota3A_45 = tpu.iota {dimensions = array<i32: 1>} : vector<64x64xi32>
    %lt3A_46 = arith.cmpi slt, %iota3A_45, %iota3A_44 : vector<64x64xi32>
    %convert_element_type3A_47 = arith.extui %lt3A_46 : vector<64x64xi1> to vector<64x64xi32>
    %convert_element_type3A_48 = arith.sitofp %convert_element_type3A_47 : vector<64x64xi32> to vector<64x64xf32>
    %convert_element_type3A_49 = arith.sitofp %mul3A_43 : vector<1x64xi32> to vector<1x64xf32>
    %reshape3A = vector.shape_cast %convert_element_type3A_49 : vector<1x64xf32> to vector<64x1xf32>
    %dot_general3A = arith.constant dense<0.000000e+00> : vector<64x1xf32>
    %dot_general3A_50 = tpu.matmul %convert_element_type3A_48, %reshape3A, %dot_general3A {dimension_numbers = #tpu.dot_dimension_numbers<[1], [0], [0], [1], [0, 0, 1, 1], [], []>, precision = #tpu.contract_precision<fp32>, transpose_lhs_hint = false} : vector<64x64xf32>, vector<64x1xf32>, vector<64x1xf32> -> vector<64x1xf32>
    %reshape3A_51 = vector.shape_cast %dot_general3A_50 : vector<64x1xf32> to vector<1x64xf32>
    %reduce_sum3A = vector.shape_cast %mul3A_43 : vector<1x64xi32> to vector<1x1x64xi32>
    %reduce_sum3A_52 = arith.constant dense<0> : vector<1xi32>
    %reduce_sum3A_53 = vector.multi_reduction <add>, %reduce_sum3A, %reduce_sum3A_52 [1, 2] : vector<1x1x64xi32> to vector<1xi32>
    %reduce_sum3A_54 = vector.shape_cast %reduce_sum3A_53 : vector<1xi32> to vector<1x1x1xi32>
    %reduce_sum3A_55 = vector.extract %reduce_sum3A_54[0, 0, 0] : i32 from vector<1x1x1xi32>
    %get3A_56 = arith.constant 0 : index
    %get3A_57 = arith.constant 0 : index
    %get3A_58 = vector.load %arg4[%get3A_56, %get3A_57] : memref<4096x64xf32, #tpu.memory_space<vmem>>, vector<4096x64xf32>
    %mul3A_59 = vector.broadcast %reshape3A_51 : vector<1x64xf32> to vector<4096x64xf32>
    %mul3A_60 = arith.mulf %get3A_58, %mul3A_59 : vector<4096x64xf32>
    %reduce_sum3A_61 = arith.constant dense<0.000000e+00> : vector<4096xf32>
    %reduce_sum3A_62 = vector.multi_reduction <add>, %mul3A_60, %reduce_sum3A_61 [1] : vector<4096x64xf32> to vector<4096xf32>
    %get3A_63 = arith.constant 0 : index
    %get3A_64 = vector.load %arg1[%get3A_63] : memref<4096xi32, #tpu.memory_space<vmem>>, vector<4096xi32>
    %convert_element_type3A_65 = arith.fptosi %reduce_sum3A_62 : vector<4096xf32> to vector<4096xi32>
    %add3A_66 = arith.addi %get3A_64, %convert_element_type3A_65 : vector<4096xi32>
    %swap3A_67 = arith.constant 0 : index
    %swap3A_68 = vector.load %arg1[%swap3A_67] : memref<4096xi32, #tpu.memory_space<vmem>>, vector<4096xi32>
    tpu.vector_store %arg1[%swap3A_67], %add3A_66 {strides = array<i32>} : memref<4096xi32, #tpu.memory_space<vmem>>, vector<4096xi32>,
    %iota3A_69 = tpu.iota {dimensions = array<i32: 0>} : vector<96x64xi32>
    %mul3A_70 = arith.constant 128 : i32
    %mul3A_71 = vector.broadcast %mul3A_70 : i32 to vector<96x64xi32>
    %mul3A_72 = arith.muli %iota3A_69, %mul3A_71 : vector<96x64xi32>
    %convert_element_type3A_73 = arith.sitofp %mul3A_72 : vector<96x64xi32> to vector<96x64xf32>
    %le3A = vector.broadcast %reshape3A_51 : vector<1x64xf32> to vector<96x64xf32>
    %le3A_74 = arith.cmpf ole, %le3A, %convert_element_type3A_73 : vector<96x64xf32>
    %convert_element_type3A_75 = arith.extui %le3A_74 : vector<96x64xi1> to vector<96x64xi32>
    %reduce_sum3A_76 = arith.constant dense<0> : vector<96xi32>
    %reduce_sum3A_77 = vector.multi_reduction <add>, %convert_element_type3A_75, %reduce_sum3A_76 [1] : vector<96x64xi32> to vector<96xi32>
    %sub3A_78 = arith.constant 1 : i32
    %sub3A_79 = vector.broadcast %sub3A_78 : i32 to vector<96xi32>
    %sub3A_80 = arith.subi %reduce_sum3A_77, %sub3A_79 : vector<96xi32>
    %swap3A_81 = arith.constant 0 : index
    %swap3A_82 = vector.load %arg2[%swap3A_81] : memref<96xi32, #tpu.memory_space<vmem>>, vector<96xi32>
    tpu.vector_store %arg2[%swap3A_81], %sub3A_80 {strides = array<i32>} : memref<96xi32, #tpu.memory_space<vmem>>, vector<96xi32>,
    %reduce_min3A = arith.constant dense<2147483647> : vector<96xi32>
    %reduce_min3A_83 = vector.multi_reduction <minsi>, %mul3A_72, %reduce_min3A [1] : vector<96x64xi32> to vector<96xi32>
    %lt3A_84 = vector.broadcast %reduce_sum3A_55 : i32 to vector<96xi32>
    %lt3A_85 = arith.cmpi slt, %reduce_min3A_83, %lt3A_84 : vector<96xi32>
    %convert_element_type3A_86 = arith.extui %lt3A_85 : vector<96xi1> to vector<96xi32>
    %swap3A_87 = arith.constant 0 : index
    %swap3A_88 = vector.load %arg3[%swap3A_87] : memref<96xi32, #tpu.memory_space<vmem>>, vector<96xi32>
    tpu.vector_store %arg3[%swap3A_87], %convert_element_type3A_86 {strides = array<i32>} : memref<96xi32, #tpu.memory_space<vmem>>, vector<96xi32>,
    return
  }
}

module attributes {stable_mosaic.version = 14 : i64} {
  func.func @_stage1_body(%arg0: i32, %arg1: memref<512x1024xf32, #tpu.memory_space<vmem>>, %arg2: memref<64x1024xf32, #tpu.memory_space<vmem>>, %arg3: memref<512x1024xbf16, #tpu.memory_space<vmem>>, %arg4: memref<512x1024xbf16, #tpu.memory_space<vmem>>, %arg5: memref<1024x512xbf16, #tpu.memory_space<vmem>>, %arg6: memref<512x1024xf32, #tpu.memory_space<vmem>>, %arg7: memref<512x1024xf32, #tpu.memory_space<vmem>>, %arg8: memref<512xi32, #tpu.memory_space<vmem>>) attributes {dimension_semantics = [#tpu.dimension_semantics<arbitrary>], iteration_bounds = array<i64: 8>, scalar_prefetch = 0 : i64, scratch_operands = 0 : i64, tpu.core_type = #tpu.core_type<tc>, window_params = [{transform_indices = @transform_0, window_bounds = array<i64: 512, 1024>}, {pipeline_mode = #tpu.pipeline_mode<synchronous>, transform_indices = @transform_1, window_bounds = array<i64: 64, 1024>}, {pipeline_mode = #tpu.pipeline_mode<synchronous>, transform_indices = @transform_2, window_bounds = array<i64: 512, 1024>}, {pipeline_mode = #tpu.pipeline_mode<synchronous>, transform_indices = @transform_3, window_bounds = array<i64: 512, 1024>}, {pipeline_mode = #tpu.pipeline_mode<synchronous>, transform_indices = @transform_4, window_bounds = array<i64: 1024, 512>}, {transform_indices = @transform_5, window_bounds = array<i64: 512, 1024>}, {transform_indices = @transform_6, window_bounds = array<i64: 512, 1024>}, {transform_indices = @transform_7, window_bounds = array<i64: 512>}]} {
    %get3A = arith.constant 0 : index
    %get3A_0 = arith.constant 0 : index
    %get3A_1 = vector.load %arg1[%get3A, %get3A_0] : memref<512x1024xf32, #tpu.memory_space<vmem>>, vector<512x1024xf32>
    %convert_element_type3A = arith.truncf %get3A_1 : vector<512x1024xf32> to vector<512x1024xbf16>
    %get3A_2 = arith.constant 0 : index
    %get3A_3 = arith.constant 0 : index
    %get3A_4 = vector.load %arg2[%get3A_2, %get3A_3] : memref<64x1024xf32, #tpu.memory_space<vmem>>, vector<64x1024xf32>
    %convert_element_type3A_5 = arith.truncf %get3A_4 : vector<64x1024xf32> to vector<64x1024xbf16>
    %dot_general3A = arith.constant dense<0.000000e+00> : vector<512x64xf32>
    %dot_general3A_6 = tpu.matmul %convert_element_type3A, %convert_element_type3A_5, %dot_general3A {dimension_numbers = #tpu.dot_dimension_numbers<[1], [1], [0], [0], [0, 0, 1, 0], [], []>, transpose_lhs_hint = false} : vector<512x1024xbf16>, vector<64x1024xbf16>, vector<512x64xf32> -> vector<512x64xf32>
    %reduce_max3A = arith.constant dense<0xFF800000> : vector<512xf32>
    %reduce_max3A_7 = vector.multi_reduction <maximumf>, %dot_general3A_6, %reduce_max3A [1] : vector<512x64xf32> to vector<512xf32>
    %broadcast_in_dim3A = vector.shape_cast %reduce_max3A_7 : vector<512xf32> to vector<512x1xf32>
    %iota3A = tpu.iota {dimensions = array<i32: 1>} : vector<512x64xi32>
    %eq3A = vector.broadcast %broadcast_in_dim3A : vector<512x1xf32> to vector<512x64xf32>
    %eq3A_8 = arith.cmpf oeq, %dot_general3A_6, %eq3A : vector<512x64xf32>
    %jit3A = arith.constant 64 : i32
    %broadcast_in_dim3A_9 = vector.broadcast %jit3A : i32 to vector<512x64xi32>
    %select_n3A = arith.select %eq3A_8, %iota3A, %broadcast_in_dim3A_9 : vector<512x64xi1>, vector<512x64xi32>
    %reduce_min3A = arith.constant dense<2147483647> : vector<512xi32>
    %reduce_min3A_10 = vector.multi_reduction <minsi>, %select_n3A, %reduce_min3A [1] : vector<512x64xi32> to vector<512xi32>
    %swap3A = arith.constant 0 : index
    %swap3A_11 = vector.load %arg8[%swap3A] : memref<512xi32, #tpu.memory_space<vmem>>, vector<512xi32>
    tpu.vector_store %arg8[%swap3A], %reduce_min3A_10 {strides = array<i32>} : memref<512xi32, #tpu.memory_space<vmem>>, vector<512xi32>,
    %logistic3A = arith.negf %broadcast_in_dim3A : vector<512x1xf32>
    %logistic3A_12 = math.exp %logistic3A : vector<512x1xf32>
    %logistic3A_13 = arith.constant 1.000000e+00 : f32
    %logistic3A_14 = vector.broadcast %logistic3A_13 : f32 to vector<512x1xf32>
    %logistic3A_15 = arith.addf %logistic3A_14, %logistic3A_12 : vector<512x1xf32>
    %logistic3A_16 = arith.divf %logistic3A_14, %logistic3A_15 : vector<512x1xf32>
    %mul3A = vector.broadcast %logistic3A_16 : vector<512x1xf32> to vector<512x1024xf32>
    %mul3A_17 = arith.mulf %get3A_1, %mul3A : vector<512x1024xf32>
    %swap3A_18 = arith.constant 0 : index
    %swap3A_19 = arith.constant 0 : index
    %swap3A_20 = vector.load %arg7[%swap3A_18, %swap3A_19] : memref<512x1024xf32, #tpu.memory_space<vmem>>, vector<512x1024xf32>
    tpu.vector_store %arg7[%swap3A_18, %swap3A_19], %mul3A_17 {strides = array<i32>} : memref<512x1024xf32, #tpu.memory_space<vmem>>, vector<512x1024xf32>,
    %get3A_21 = arith.constant 0 : index
    %get3A_22 = arith.constant 0 : index
    %get3A_23 = vector.load %arg3[%get3A_21, %get3A_22] : memref<512x1024xbf16, #tpu.memory_space<vmem>>, vector<512x1024xbf16>
    %dot_general3A_24 = arith.constant dense<0.000000e+00> : vector<512x512xf32>
    %dot_general3A_25 = tpu.matmul %convert_element_type3A, %get3A_23, %dot_general3A_24 {dimension_numbers = #tpu.dot_dimension_numbers<[1], [1], [0], [0], [0, 0, 1, 0], [], []>, transpose_lhs_hint = false} : vector<512x1024xbf16>, vector<512x1024xbf16>, vector<512x512xf32> -> vector<512x512xf32>
    %get3A_26 = arith.constant 0 : index
    %get3A_27 = arith.constant 0 : index
    %get3A_28 = vector.load %arg4[%get3A_26, %get3A_27] : memref<512x1024xbf16, #tpu.memory_space<vmem>>, vector<512x1024xbf16>
    %dot_general3A_29 = arith.constant dense<0.000000e+00> : vector<512x512xf32>
    %dot_general3A_30 = tpu.matmul %convert_element_type3A, %get3A_28, %dot_general3A_29 {dimension_numbers = #tpu.dot_dimension_numbers<[1], [1], [0], [0], [0, 0, 1, 0], [], []>, transpose_lhs_hint = false} : vector<512x1024xbf16>, vector<512x1024xbf16>, vector<512x512xf32> -> vector<512x512xf32>
    %logistic3A_31 = arith.negf %dot_general3A_25 : vector<512x512xf32>
    %logistic3A_32 = math.exp %logistic3A_31 : vector<512x512xf32>
    %logistic3A_33 = arith.constant 1.000000e+00 : f32
    %logistic3A_34 = vector.broadcast %logistic3A_33 : f32 to vector<512x512xf32>
    %logistic3A_35 = arith.addf %logistic3A_34, %logistic3A_32 : vector<512x512xf32>
    %logistic3A_36 = arith.divf %logistic3A_34, %logistic3A_35 : vector<512x512xf32>
    %mul3A_37 = arith.mulf %dot_general3A_25, %logistic3A_36 : vector<512x512xf32>
    %mul3A_38 = arith.mulf %mul3A_37, %dot_general3A_30 : vector<512x512xf32>
    %convert_element_type3A_39 = arith.truncf %mul3A_38 : vector<512x512xf32> to vector<512x512xbf16>
    %get3A_40 = arith.constant 0 : index
    %get3A_41 = arith.constant 0 : index
    %get3A_42 = vector.load %arg5[%get3A_40, %get3A_41] : memref<1024x512xbf16, #tpu.memory_space<vmem>>, vector<1024x512xbf16>
    %dot_general3A_43 = arith.constant dense<0.000000e+00> : vector<512x1024xf32>
    %dot_general3A_44 = tpu.matmul %convert_element_type3A_39, %get3A_42, %dot_general3A_43 {dimension_numbers = #tpu.dot_dimension_numbers<[1], [1], [0], [0], [0, 0, 1, 0], [], []>, transpose_lhs_hint = false} : vector<512x512xbf16>, vector<1024x512xbf16>, vector<512x1024xf32> -> vector<512x1024xf32>
    %swap3A_45 = arith.constant 0 : index
    %swap3A_46 = arith.constant 0 : index
    %swap3A_47 = vector.load %arg6[%swap3A_45, %swap3A_46] : memref<512x1024xf32, #tpu.memory_space<vmem>>, vector<512x1024xf32>
    tpu.vector_store %arg6[%swap3A_45, %swap3A_46], %dot_general3A_44 {strides = array<i32>} : memref<512x1024xf32, #tpu.memory_space<vmem>>, vector<512x1024xf32>,
    return
  }
  func.func @transform_0(%arg0: i32) -> (i32, i32) {
    %c0_i32 = arith.constant 0 : i32
    %c0_i32_0 = arith.constant 0 : i32
    return %arg0, %c0_i32 : i32, i32
  }
  func.func @transform_1(%arg0: i32) -> (i32, i32) {
    %c0_i32 = arith.constant 0 : i32
    %c0_i32_0 = arith.constant 0 : i32
    %c0_i32_1 = arith.constant 0 : i32
    return %c0_i32, %c0_i32_0 : i32, i32
  }
  func.func @transform_2(%arg0: i32) -> (i32, i32) {
    %c0_i32 = arith.constant 0 : i32
    %c0_i32_0 = arith.constant 0 : i32
    %c0_i32_1 = arith.constant 0 : i32
    return %c0_i32, %c0_i32_0 : i32, i32
  }
  func.func @transform_3(%arg0: i32) -> (i32, i32) {
    %c0_i32 = arith.constant 0 : i32
    %c0_i32_0 = arith.constant 0 : i32
    %c0_i32_1 = arith.constant 0 : i32
    return %c0_i32, %c0_i32_0 : i32, i32
  }
  func.func @transform_4(%arg0: i32) -> (i32, i32) {
    %c0_i32 = arith.constant 0 : i32
    %c0_i32_0 = arith.constant 0 : i32
    %c0_i32_1 = arith.constant 0 : i32
    return %c0_i32, %c0_i32_0 : i32, i32
  }
  func.func @transform_5(%arg0: i32) -> (i32, i32) {
    %c0_i32 = arith.constant 0 : i32
    %c0_i32_0 = arith.constant 0 : i32
    return %arg0, %c0_i32 : i32, i32
  }
  func.func @transform_6(%arg0: i32) -> (i32, i32) {
    %c0_i32 = arith.constant 0 : i32
    %c0_i32_0 = arith.constant 0 : i32
    return %arg0, %c0_i32 : i32, i32
  }
  func.func @transform_7(%arg0: i32) -> i32 {
    %c0_i32 = arith.constant 0 : i32
    return %arg0 : i32
  }
}

module attributes {stable_mosaic.version = 14 : i64} {
  func.func @_grouped_body(%arg0: i32, %arg1: memref<96xi32, #tpu.memory_space<smem>>, %arg2: memref<96xi32, #tpu.memory_space<smem>>, %arg3: memref<128x1024xf32, #tpu.memory_space<vmem>>, %arg4: memref<1x512x1024xf32, #tpu.memory_space<vmem>>, %arg5: memref<1x512x1024xf32, #tpu.memory_space<vmem>>, %arg6: memref<1x1024x512xf32, #tpu.memory_space<vmem>>, %arg7: memref<128x1024xf32, #tpu.memory_space<vmem>>, %arg8: memref<128x1024xf32, #tpu.memory_space<vmem>>) attributes {dimension_semantics = [#tpu.dimension_semantics<arbitrary>], iteration_bounds = array<i64: 96>, scalar_prefetch = 2 : i64, scratch_operands = 0 : i64, tpu.core_type = #tpu.core_type<tc>, window_params = [{transform_indices = @transform_0, window_bounds = array<i64: 128, 1024>}, {transform_indices = @transform_1, window_bounds = array<i64: 1, 512, 1024>}, {transform_indices = @transform_2, window_bounds = array<i64: 1, 512, 1024>}, {transform_indices = @transform_3, window_bounds = array<i64: 1, 1024, 512>}, {transform_indices = @transform_4, window_bounds = array<i64: 128, 1024>}, {transform_indices = @transform_5, window_bounds = array<i64: 128, 1024>}]} {
    %get3A = arith.index_cast %arg0 : i32 to index
    %get3A_0 = memref.load %arg2[%get3A] : memref<96xi32, #tpu.memory_space<smem>>
    %ne3A = arith.constant 0 : i32
    %ne3A_1 = arith.cmpi ne, %get3A_0, %ne3A : i32
    %convert_element_type3A = arith.extui %ne3A_1 : i1 to i32
    %cond3A = arith.constant 0 : i32
    %cond3A_2 = arith.cmpi ne, %convert_element_type3A, %cond3A : i32
    scf.if %cond3A_2 {
      %get3A_3 = arith.constant 0 : index
      %get3A_4 = arith.constant 0 : index
      %get3A_5 = vector.load %arg3[%get3A_3, %get3A_4] : memref<128x1024xf32, #tpu.memory_space<vmem>>, vector<128x1024xf32>
      %convert_element_type3A_6 = arith.truncf %get3A_5 : vector<128x1024xf32> to vector<128x1024xbf16>
      %get3A_7 = arith.constant 0 : index
      %get3A_8 = arith.constant 0 : index
      %get3A_9 = arith.constant 0 : index
      %get3A_10 = vector.load %arg4[%get3A_7, %get3A_8, %get3A_9] : memref<1x512x1024xf32, #tpu.memory_space<vmem>>, vector<1x512x1024xf32>
      %get3A_11 = vector.shape_cast %get3A_10 : vector<1x512x1024xf32> to vector<512x1024xf32>
      %convert_element_type3A_12 = arith.truncf %get3A_11 : vector<512x1024xf32> to vector<512x1024xbf16>
      %dot_general3A = arith.constant dense<0.000000e+00> : vector<128x512xf32>
      %dot_general3A_13 = tpu.matmul %convert_element_type3A_6, %convert_element_type3A_12, %dot_general3A {dimension_numbers = #tpu.dot_dimension_numbers<[1], [1], [0], [0], [0, 0, 1, 0], [], []>, transpose_lhs_hint = false} : vector<128x1024xbf16>, vector<512x1024xbf16>, vector<128x512xf32> -> vector<128x512xf32>
      %get3A_14 = arith.constant 0 : index
      %get3A_15 = arith.constant 0 : index
      %get3A_16 = arith.constant 0 : index
      %get3A_17 = vector.load %arg5[%get3A_14, %get3A_15, %get3A_16] : memref<1x512x1024xf32, #tpu.memory_space<vmem>>, vector<1x512x1024xf32>
      %get3A_18 = vector.shape_cast %get3A_17 : vector<1x512x1024xf32> to vector<512x1024xf32>
      %convert_element_type3A_19 = arith.truncf %get3A_18 : vector<512x1024xf32> to vector<512x1024xbf16>
      %dot_general3A_20 = arith.constant dense<0.000000e+00> : vector<128x512xf32>
      %dot_general3A_21 = tpu.matmul %convert_element_type3A_6, %convert_element_type3A_19, %dot_general3A_20 {dimension_numbers = #tpu.dot_dimension_numbers<[1], [1], [0], [0], [0, 0, 1, 0], [], []>, transpose_lhs_hint = false} : vector<128x1024xbf16>, vector<512x1024xbf16>, vector<128x512xf32> -> vector<128x512xf32>
      %logistic3A = arith.negf %dot_general3A_13 : vector<128x512xf32>
      %logistic3A_22 = math.exp %logistic3A : vector<128x512xf32>
      %logistic3A_23 = arith.constant 1.000000e+00 : f32
      %logistic3A_24 = vector.broadcast %logistic3A_23 : f32 to vector<128x512xf32>
      %logistic3A_25 = arith.addf %logistic3A_24, %logistic3A_22 : vector<128x512xf32>
      %logistic3A_26 = arith.divf %logistic3A_24, %logistic3A_25 : vector<128x512xf32>
      %mul3A = arith.mulf %dot_general3A_13, %logistic3A_26 : vector<128x512xf32>
      %mul3A_27 = arith.mulf %mul3A, %dot_general3A_21 : vector<128x512xf32>
      %convert_element_type3A_28 = arith.truncf %mul3A_27 : vector<128x512xf32> to vector<128x512xbf16>
      %get3A_29 = arith.constant 0 : index
      %get3A_30 = arith.constant 0 : index
      %get3A_31 = arith.constant 0 : index
      %get3A_32 = vector.load %arg6[%get3A_29, %get3A_30, %get3A_31] : memref<1x1024x512xf32, #tpu.memory_space<vmem>>, vector<1x1024x512xf32>
      %get3A_33 = vector.shape_cast %get3A_32 : vector<1x1024x512xf32> to vector<1024x512xf32>
      %convert_element_type3A_34 = arith.truncf %get3A_33 : vector<1024x512xf32> to vector<1024x512xbf16>
      %dot_general3A_35 = arith.constant dense<0.000000e+00> : vector<128x1024xf32>
      %dot_general3A_36 = tpu.matmul %convert_element_type3A_28, %convert_element_type3A_34, %dot_general3A_35 {dimension_numbers = #tpu.dot_dimension_numbers<[1], [1], [0], [0], [0, 0, 1, 0], [], []>, transpose_lhs_hint = false} : vector<128x512xbf16>, vector<1024x512xbf16>, vector<128x1024xf32> -> vector<128x1024xf32>
      %get3A_37 = arith.constant 0 : index
      %get3A_38 = arith.constant 0 : index
      %get3A_39 = vector.load %arg7[%get3A_37, %get3A_38] : memref<128x1024xf32, #tpu.memory_space<vmem>>, vector<128x1024xf32>
      %add3A = arith.addf %dot_general3A_36, %get3A_39 : vector<128x1024xf32>
      %swap3A = arith.constant 0 : index
      %swap3A_40 = arith.constant 0 : index
      %swap3A_41 = vector.load %arg8[%swap3A, %swap3A_40] : memref<128x1024xf32, #tpu.memory_space<vmem>>, vector<128x1024xf32>
      tpu.vector_store %arg8[%swap3A, %swap3A_40], %add3A {strides = array<i32>} : memref<128x1024xf32, #tpu.memory_space<vmem>>, vector<128x1024xf32>,
    } else {
    }
    return
  }
  func.func @transform_0(%arg0: i32, %arg1: memref<96xi32, #tpu.memory_space<smem>>, %arg2: memref<96xi32, #tpu.memory_space<smem>>) -> (i32, i32) {
    %get3A = arith.index_cast %arg0 : i32 to index
    %get3A_0 = memref.load %arg2[%get3A] : memref<96xi32, #tpu.memory_space<smem>>
    %mul3A = arith.muli %arg0, %get3A_0 : i32
    %c0_i32 = arith.constant 0 : i32
    %c0_i32_1 = arith.constant 0 : i32
    return %mul3A, %c0_i32 : i32, i32
  }
  func.func @transform_1(%arg0: i32, %arg1: memref<96xi32, #tpu.memory_space<smem>>, %arg2: memref<96xi32, #tpu.memory_space<smem>>) -> (i32, i32, i32) {
    %get3A = arith.index_cast %arg0 : i32 to index
    %get3A_0 = memref.load %arg1[%get3A] : memref<96xi32, #tpu.memory_space<smem>>
    %get3A_1 = arith.index_cast %arg0 : i32 to index
    %get3A_2 = memref.load %arg2[%get3A_1] : memref<96xi32, #tpu.memory_space<smem>>
    %mul3A = arith.muli %get3A_0, %get3A_2 : i32
    %c0_i32 = arith.constant 0 : i32
    %c0_i32_3 = arith.constant 0 : i32
    %c0_i32_4 = arith.constant 0 : i32
    return %mul3A, %c0_i32, %c0_i32_3 : i32, i32, i32
  }
  func.func @transform_2(%arg0: i32, %arg1: memref<96xi32, #tpu.memory_space<smem>>, %arg2: memref<96xi32, #tpu.memory_space<smem>>) -> (i32, i32, i32) {
    %get3A = arith.index_cast %arg0 : i32 to index
    %get3A_0 = memref.load %arg1[%get3A] : memref<96xi32, #tpu.memory_space<smem>>
    %get3A_1 = arith.index_cast %arg0 : i32 to index
    %get3A_2 = memref.load %arg2[%get3A_1] : memref<96xi32, #tpu.memory_space<smem>>
    %mul3A = arith.muli %get3A_0, %get3A_2 : i32
    %c0_i32 = arith.constant 0 : i32
    %c0_i32_3 = arith.constant 0 : i32
    %c0_i32_4 = arith.constant 0 : i32
    return %mul3A, %c0_i32, %c0_i32_3 : i32, i32, i32
  }
  func.func @transform_3(%arg0: i32, %arg1: memref<96xi32, #tpu.memory_space<smem>>, %arg2: memref<96xi32, #tpu.memory_space<smem>>) -> (i32, i32, i32) {
    %get3A = arith.index_cast %arg0 : i32 to index
    %get3A_0 = memref.load %arg1[%get3A] : memref<96xi32, #tpu.memory_space<smem>>
    %get3A_1 = arith.index_cast %arg0 : i32 to index
    %get3A_2 = memref.load %arg2[%get3A_1] : memref<96xi32, #tpu.memory_space<smem>>
    %mul3A = arith.muli %get3A_0, %get3A_2 : i32
    %c0_i32 = arith.constant 0 : i32
    %c0_i32_3 = arith.constant 0 : i32
    %c0_i32_4 = arith.constant 0 : i32
    return %mul3A, %c0_i32, %c0_i32_3 : i32, i32, i32
  }
  func.func @transform_4(%arg0: i32, %arg1: memref<96xi32, #tpu.memory_space<smem>>, %arg2: memref<96xi32, #tpu.memory_space<smem>>) -> (i32, i32) {
    %get3A = arith.index_cast %arg0 : i32 to index
    %get3A_0 = memref.load %arg2[%get3A] : memref<96xi32, #tpu.memory_space<smem>>
    %mul3A = arith.muli %arg0, %get3A_0 : i32
    %c0_i32 = arith.constant 0 : i32
    %c0_i32_1 = arith.constant 0 : i32
    return %mul3A, %c0_i32 : i32, i32
  }
  func.func @transform_5(%arg0: i32, %arg1: memref<96xi32, #tpu.memory_space<smem>>, %arg2: memref<96xi32, #tpu.memory_space<smem>>) -> (i32, i32) {
    %get3A = arith.index_cast %arg0 : i32 to index
    %get3A_0 = memref.load %arg2[%get3A] : memref<96xi32, #tpu.memory_space<smem>>
    %mul3A = arith.muli %arg0, %get3A_0 : i32
    %get3A_1 = arith.index_cast %arg0 : i32 to index
    %get3A_2 = memref.load %arg2[%get3A_1] : memref<96xi32, #tpu.memory_space<smem>>
    %sub3A = arith.constant 1 : i32
    %sub3A_3 = arith.subi %sub3A, %get3A_2 : i32
    %mul3A_4 = arith.constant 96 : i32
    %mul3A_5 = arith.muli %sub3A_3, %mul3A_4 : i32
    %add3A = arith.addi %mul3A, %mul3A_5 : i32
    %c0_i32 = arith.constant 0 : i32
    %c0_i32_6 = arith.constant 0 : i32
    return %add3A, %c0_i32 : i32, i32
  }
}

</mosaic_0001>

<sc_bundles>
// kernel: kernel.10.cloned.1.call-start
scs
__scs_entry_jumppad:
0x0: {  	(pc) =	sbr.rel $0x88, $3  }
0x1: {  	(tag) =	ssettag $0x0;
	lr =	simm.s32 $0x1  }
0x2: {  	[smem:$0x3F99] =	sst lr;
	_ =	strace $0xD0000000  }
0x3: {  	_ = 	snop  }
0x4: {  	_ = 	snop  }
0x5: {  	_ = 	snop  }
0x6: {  	_ = 	snop  }
0x7: {  	_ = 	snop  }
__scs_overlays_trampoline_lowered:
0x8: {  	[smem:$0x3FA8] =	sst s0  }
0x9: {  	[smem:$0x3FA9] =	sst s1  }
0xa: {  	[smem:$0x3FAA] =	sst s2  }
0xb: {  	[smem:$0x3FAB] =	sst s3  }
0xc: {  	[smem:$0x3FAC] =	sst s4  }
0xd: {  	[smem:$0x3FAD] =	sst s5  }
0xe: {  	[smem:$0x3FAE] =	sst s6  }
0xf: {  	[smem:$0x3FAF] =	sst s7  }
0x10: {  	[smem:$0x3FB0] =	sst s8  }
0x11: {  	[smem:$0x3FB1] =	sst s9;
	s0 =	simm.s32 @!p0 $0x0  }
0x12: {  	s1 =	sld [smem:$0x3F97];
	s0 =	simm.s32 @p0 $0x1  }
0x13: {  	[smem:$0x3FB2] =	sst s0;
	s0 =	simm.s32 @!p1 $0x0  }
0x14: {  	s2 =	sld [smem:$0x3F96];
	s0 =	simm.s32 @p1 $0x1  }
0x15: {  	[smem:$0x3FB3] =	sst s0;
	s0 =	simm.s32 @!p2 $0x0  }
0x16: {  	s3 =	sld [smem:$0x3FDB];
	s0 =	simm.s32 @p2 $0x1  }
0x17: {  	s4 =	simm.s32 $0x1BF5;
	[smem:$0x3FB5] =	sst s0  }
0x18: {  	s0 =	sld [smem:$0x3F98];
	_ =	swait.ge [sflag:s4], $0x0  }
0x19: {  	s7 =	sld [smem:$0x3F99]  }
0x1a: {  	s8 =	sadd.s32 $0xFFFFE003, lr  }
0x1b: {  	s9 =	sadd.s32 $0xFFFFFEF7, lr;
	s5 =	simm.s32 $0xFFFFFFFF;
	p2 =	slt.u32 s8, $0xFFFFF086  }
0x1c: {  	p1 =	slt.u32 s9, $0xF7A;
	s5 =	simm.s32 @!p2 $0x0  }
0x1d: {  	s5 =	simm.s32 @p1 $0x1;
	p0 =	seq.s32 s7, s2  }
0x1e: {  	s7 =	smul.u32 @!p0 $0xF7A, s2;
	p2 =	seq.s32 @!p0 s5, $0x0  }
0x1f: {  	s9 =	smul.u32 $0xF7A, s1;
	s8 =	simm.s32 @!p0 $0x1BF5;
	p2 =	por !p2, p0  }
0x20: {  	[sflag:s8] =	ssyncset.s32 @!p0 $0xFFFFF086;
	s6 =	sadd.s32 @!p0 s3, s7;
	s7 =	simm.s32 @!p0 $0x108  }
0x21: {  	s3 =	sadd.s32 s3, s9;
	s6 =	sadd.s32 @!p0 $0x88, s6;
	s7 =	simm.s32 @p2 $0x1082  }
0x22: {  	[simem:s7], [sflag:s8] =	dma.local @!p0 [hbm:s6], $0xF7A  }
0x23: {  	s9 =	sor.u32 $0xD0000000, s2;
	s6 =	simm.s32 $0x108;
	_ =	swait.ge @!p0 [sflag:s8], $0x0  }
0x24: {  	s3 =	sadd.s32 $0x88, s3;
	s6 =	simm.s32 @!p1 $0x1082;
	[sflag:s4] =	ssyncset.s32 $0xFFFFF086  }
0x25: {  	[simem:s6], [sflag:s4] =	dma.local [hbm:s3], $0xF7A  }
0x26: {  	[smem:$0x3F99] =	sst s1;
	(tag) =	ssettag s2;
	_ =	strace s9  }
0x27: {  	s1 =	sld [smem:$0x3FA9]  }
0x28: {  	s2 =	sld [smem:$0x3FAA]  }
0x29: {  	s4 =	sld [smem:$0x3FAC]  }
0x2a: {  	p0 =	seq.s32 s5, $0x0;
	s5 =	sld [smem:$0x3FAD]  }
0x2b: {  	s6 =	sld [smem:$0x3FAE]  }
0x2c: {  	s7 =	sld [smem:$0x3FAF]  }
0x2d: {  	s3 =	simm.s32 $0x108;
	s8 =	sld [smem:$0x3FB0]  }
0x2e: {  	s3 =	simm.s32 @!p0 $0x1082;
	s9 =	sld [smem:$0x3FB1]  }
0x2f: {  	lr =	sadd.s32 s0, s3;
	s0 =	sld [smem:$0x3FA8]  }
0x30: {  	s3 =	sld [smem:$0x3FAB]  }
0x31: {  	[smem:$0x3FB4] =	sst s10  }
0x32: {  	s10 =	sld [smem:$0x3FB2];
	_ =	sdelay $0x3  }
0x33: {  	p0 =	seq.s32 s10, $0x1;
	s10 =	sld [smem:$0x3FB4];
	_ =	sdelay $0x3  }
0x34: {  	[smem:$0x3FB4] =	sst s10  }
0x35: {  	s10 =	sld [smem:$0x3FB3];
	_ =	sdelay $0x3  }
0x36: {  	p1 =	seq.s32 s10, $0x1;
	s10 =	sld [smem:$0x3FB4];
	_ =	sdelay $0x3  }
0x37: {  	[smem:$0x3FB4] =	sst s10  }
0x38: {  	s10 =	sld [smem:$0x3FB5]  }
0x39: {  	_ = 	snop;
	(pc) =	sbr.ind lr, $3  }
0x3a: {  	_ = 	snop  }
0x3b: {  	_ = 	snop  }
0x3c: {  	p2 =	seq.s32 s10, $0x1;
	s10 =	sld [smem:$0x3FB4]  }
0x3d: {  	_ =	shalt  }
0x3e: {  	_ =	shalt  }
0x3f: {  	_ =	shalt  }
0x40: {  	_ =	shalt  }
0x41: {  	_ =	shalt  }
0x42: {  	_ =	shalt  }
0x43: {  	_ =	shalt  }
0x44: {  	_ =	shalt  }
0x45: {  	_ =	shalt  }
0x46: {  	_ =	shalt  }
0x47: {  	_ =	shalt  }
0x48: {  	_ =	shalt  }
0x49: {  	_ =	shalt  }
0x4a: {  	_ =	shalt  }
0x4b: {  	_ =	shalt  }
0x4c: {  	_ =	shalt  }
0x4d: {  	_ =	shalt  }
0x4e: {  	_ =	shalt  }
0x4f: {  	_ =	shalt  }
0x50: {  	_ =	shalt  }
0x51: {  	_ =	shalt  }
0x52: {  	_ =	shalt  }
0x53: {  	_ =	shalt  }
0x54: {  	_ =	shalt  }
0x55: {  	_ =	shalt  }
0x56: {  	_ =	shalt  }
0x57: {  	_ =	shalt  }
0x58: {  	_ =	shalt  }
0x59: {  	_ =	shalt  }
0x5a: {  	_ =	shalt  }
0x5b: {  	_ =	shalt  }
0x5c: {  	_ =	shalt  }
0x5d: {  	_ =	shalt  }
0x5e: {  	_ =	shalt  }
0x5f: {  	_ =	shalt  }
0x60: {  	_ =	shalt  }
0x61: {  	_ =	shalt  }
0x62: {  	_ =	shalt  }
0x63: {  	_ =	shalt  }
0x64: {  	_ =	shalt  }
0x65: {  	_ =	shalt  }
0x66: {  	_ =	shalt  }
0x67: {  	_ =	shalt  }
0x68: {  	_ =	shalt  }
0x69: {  	_ =	shalt  }
0x6a: {  	_ =	shalt  }
0x6b: {  	_ =	shalt  }
0x6c: {  	_ =	shalt  }
0x6d: {  	_ =	shalt  }
0x6e: {  	_ =	shalt  }
0x6f: {  	_ =	shalt  }
0x70: {  	_ =	shalt  }
0x71: {  	_ =	shalt  }
0x72: {  	_ =	shalt  }
0x73: {  	_ =	shalt  }
0x74: {  	_ =	shalt  }
0x75: {  	_ =	shalt  }
0x76: {  	_ =	shalt  }
0x77: {  	_ =	shalt  }
0x78: {  	_ =	shalt  }
0x79: {  	_ =	shalt  }
0x7a: {  	_ =	shalt  }
0x7b: {  	_ =	shalt  }
0x7c: {  	_ =	shalt  }
0x7d: {  	_ =	shalt  }
0x7e: {  	_ =	shalt  }
0x7f: {  	_ =	shalt  }
0x80: {  	_ =	shalt  }
0x81: {  	_ =	shalt  }
0x82: {  	_ =	shalt  }
0x83: {  	_ =	shalt  }
0x84: {  	_ =	shalt  }
0x85: {  	_ =	shalt  }
0x86: {  	_ =	shalt  }
0x87: {  	_ =	shalt  }
.Lfunc_end0:
.L_simem_size_0:
called_computation.1_lowered:
.L_overlay_start_0:
0x88: {  	s2 =	sld [smem:$0x3FD9]  }
0x89: {  	s3 =	sld [smem:$0x3FFE];
	_ =	sdelay $0x1  }
0x8a: {  	s1 =	srdreg.scid  }
0x8b: {  	s0 =	sand.u32 $0x1, s1  }
0x8c: {  	s17 =	sshll.u32 s0, $0xA;
	s2 =	sadd.s32 s3, s2  }
0x8d: {  	s2 =	sadd.s32 s2, s17  }
0x8e: {  	[smem:$0x3FC0] =	sst s2  }
0x8f: {  	_ = 	snop  }
0x90: {  	s2 =	sld [smem:$0x3FD0];
	(tm) =	ssettm $0x1  }
0x91: {  	s18 =	sld [smem:$0x3FFB];
	_ =	sdelay $0x3  }
0x92: {  	_ =	strace s18  }
0x93: {  	s3 =	sld [smem:$0x3FFC];
	_ =	sdelay $0x3  }
0x94: {  	_ =	strace s3  }
0x95: {  	s3 =	sld [smem:$0x3FFD];
	_ =	sdelay $0x3  }
0x96: {  	_ =	strace s3  }
0x97: {  	_ =	strace $0x8FFFFFFF  }
0x98: {  	s19 =	sld [smem:$0x3FDB];
	_ =	sdelay $0x1  }
0x99: {  	s4 =	simm.s32 $_scs_section_size  }
0x9a: {  	s5 =	simm.s32 $_size__tile_overlayer_lowered;
	s6 =	simm.s32 $_tile_overlayer_lowered  }
0x9b: {  	s22 =	simm.s32 $0x1BFF;
	s21 =	sshll.u32 s6, $0x1;
	s3 =	sadd.s32 s4, s19  }
0x9c: {  	s7 =	simm.s32 $0x0;
	s20 =	sshll.u32 s5, $0x1;
	s5 =	sadd.s32 s21, s3  }
0x9d: {  	[timem:s7], [sflag:s22] =	dma.local [hbm:s5], s20  }
0x9e: {  	_ =	swait.ge [sflag:s22], s20  }
0x9f: {  	s4 =	ssub.s32 $0x0, s20;
	[sflag:s22] =	ssyncset.done $0x0  }
0xa0: {  	[sflag:s22] =	ssyncadd.s32 s4;
	_ =	sdelay $0x1  }
0xa1: {  	s23 =	simm.s32 $0x1B8B  }
0xa2: {  	_ =	swait.ge [sflag:s23], $0x1  }
0xa3: {  	[sflag:s23] =	ssyncset.done $0x0  }
0xa4: {  	s25 =	simm.s32 $0x1B8E;
	s24 =	sld [smem:$0x3FFE];
	[sflag:s23] =	ssyncadd.s32 $0xFFFFFFFF  }
0xa5: {  	s26 =	simm.s32 $execute0_lowered;
	[smem:$0x3FD2] =	sst s25  }
0xa6: {  	s5 =	sshll.u32 s26, $0x1;
	_ =	strace $0x80000049;
	[dreg:$0x1] =	wrdreg $0xFFFFFFFF  }
0xa7: {  	s28 =	simm.s32 $_size_execute0_lowered;
	s3 =	sadd.s32 s3, s5;
	[dreg:$0x0] =	wrdreg $0x0  }
0xa8: {  	s5 =	sshll.u32 s28, $0x1;
	[dreg:$0x2] =	wrdreg s3  }
0xa9: {  	[dreg:$0x3] =	wrdreg s5  }
0xaa: {  	[dreg:$0x4] =	wrdreg $0xC0  }
0xab: {  	_ =	task [dreg:s7], $0x5FFFF  }
0xac: {  	[dreg:$0x1] =	wrdreg $0xFFFFFFFF  }
0xad: {  	[dreg:$0x0] =	wrdreg $0x60  }
0xae: {  	[dreg:$0x2] =	wrdreg s24  }
0xaf: {  	[dreg:$0x3] =	wrdreg s2  }
0xb0: {  	[dreg:$0x4] =	wrdreg $0x9  }
0xb1: {  	_ =	task.clear_ibuf [dreg:s7], $0x5FFFF;
	_ =	strace $0x90000049  }
0xb2: {  	s29 =	simm.s32 $0x9;
	_ =	strace $0x8000004B  }
0xb3: {  	_ =	swait.ge [sflag:s29], $0x1  }
0xb4: {  	[sflag:s29] =	ssyncadd.s32 $0xFFFFFFFF  }
0xb5: {  	_ =	strace $0x9000004B  }
0xb6: {  	_ =	sfence  }
0xb7: {  	s30 =	sld [smem:$0x0];
	_ =	sdelay $0x2  }
0xb8: {  	s31 =	sshll.u32 s1, $0xD;
	s1 =	sshrl.u32 s1, $0x2  }
0xb9: {  	s3 =	sand.u32 $0x4000, s31;
	s1 =	sadd.s32 s1, s30  }
0xba: {  	s0 =	sor.u32 s3, s0;
	s1 =	sshll.u32 s1, $0x11  }
0xbb: {  	s0 =	sor.u32 s1, s0  }
0xbc: {  	s0 =	sadd.s32 $0x8F2B, s0  }
0xbd: {  	[sflag:s0] =	ssyncadd.remote.s32 $0x1  }
0xbe: {  	_ =	sfence.sel $0xFFFF  }
0xbf: {  	[dreg:$0x0] =	wrdreg $0xFFFFFFFF;
	(pc) =	sbr.abs _section_cstart, $3  }
0xc0: {  	[dreg:$0x1] =	wrdreg $0xFFFFFFFF  }
0xc1: {  	_ =	task.clear_ibuf [dreg:s7], $0x2FFFF;
	_ =	strace $0x9FFFFFFF  }
0xc2: {  	(tm) =	ssettm $0x7FFFFFFF  }
0xc3: {  	_ =	shalt  }
tec
execute0_lowered:
.L_overlay_start_1:
0x0: {  	(tag) =	ssettag $0x1  }
0x1: {  	s0 =	rddreg [dreg:$0x0]  }
0x2: {  	s1 =	rddreg [dreg:$0x1]  }
0x3: {  	s3 =	srdreg.scid;
	s4 =	stileid.u32;
	s2 =	simm.s32 $0x0  }
0x4: {  	s9 =	simm.s32 $0x2;
	s19 =	simm.s32 $0x1;
	s21 =	simm.s32 $0x900  }
0x5: {  	s22 =	simm.s32 $0x1100;
	s23 =	simm.s32 $0x1900;
	s24 =	simm.s32 $0x2100  }
0x6: {  	s28 =	simm.s32 $0x3900;
	s29 =	simm.s32 $0x4100;
	s30 =	simm.s32 $0x4900  }
0x7: {  	s31 =	simm.s32 $0x5100;
	s11 =	simm.s32 $0x6900;
	s12 =	simm.s32 $0x7100  }
0x8: {  	s13 =	simm.s32 $0x7900;
	s14 =	simm.s32 $0x8900;
	s15 =	simm.s32 $0x9100  }
0x9: {  	s16 =	simm.s32 $0x9900;
	s17 =	simm.s32 $0xA100;
	s18 =	simm.s32 $0xA900  }
0xa: {  	s3 =	sand.u32 $0x1, s3;
	s4 =	sshll.u32 s4, $0x1;
	[smem:$0x7FF] =	sst s2  }
0xb: {  	s10 =	simm.s32 $0xB100;
	s4 =	sor.u32 s3, s4;
	_ =	strace $0x8000004A  }
0xc: {  	s6 =	ssub.s32 $0x2, s3;
	s3 =	sadd.s32 $0x381E00, s0;
	s5 =	sshll.u32 s4, $0x5  }
0xd: {  	s7 =	sshrl.u32 s6, $0x1;
	s25 =	sshll.u32 s4, $0xE;
	s4 =	sadd.s32 $0x381F00, s0  }
0xe: {  	s5 =	sadd.s32 s5, s0;
	s8 =	ssub.s32 s6, s7;
	s1 =	sadd.s32 s1, s25  }
0xf: {  	s6 =	sadd.s32 $0x382000, s0;
	s7 =	sadd.s32 $0x382100, s0;
	s0 =	simm.s32 $0x100  }
0x10: {  	v2 =	vlaneseq.u32;
	s25 =	simm.s32 $0x2900;
	s5 =	sadd.s32 $0x381A00, s5;
	[dreg:$0x5] =	wrdreg s1  }
0x11: {  	vm0 =	vmmov $0xffff;
	v1 =	vshrl.u32 v2, $0x3;
	s26 =	sadd.s32 $0x2000, s1;
	s8 =	smax.u32 s8, $0x1;
	[dreg:$0x3] =	wrdreg s5  }
0x12: {  	v0 =	vand.u32 $0x7, v2;
	v2 =	vor.u32 $0x8, v2;
	v1 =	vmul.u32 $0x8, v1;
	[dreg:$0x4] =	wrdreg s26;
	s26 =	simm.s32 $0x3100;
	s5 =	simm.s32 $0x8100  }
.LBB2_1:
0x13: {  	s20 =	rddreg [dreg:$0x3]  }
0x14: {  	[tilespmem:s2], [sflag:$0x2] =	stream.linear.gather [hbm4b:s20+s2], $0x100, $0x38;
	[tilespmem:$0x10100] =	vst v63  }
0x15: {  	_ =	swait.ge [sflag:s9], $0x100  }
0x16: {  	[sflag:s9] =	ssyncset.done $0x0  }
0x17: {  	[sflag:s9] =	ssyncadd.s32 $0xFFFFFF00  }
0x18: {  	v3 =	vld [tilespmem:$0x0];
	_ =	sdelay $0x4  }
0x19: {  	v4 =	vshll.u32 v3, $0x3  }
0x1a: {  	v3 =	vand.u32 $0x7, v3;
	v4 =	vand.u32 $0xFFFFFFC0, v4  }
0x1b: {  	v3 =	vor.u32 v3, v4  }
0x1c: {  	v4 =	vperm.xlane v3, v0;
	_ =	sdelay $0x1  }
0x1d: {  	v4 =	vadd.s32 v1, v4;
	_ =	sdelay $0x4  }
0x1e: {  	[tilespmem:s0], [sflag:$0x1] =	stream.indirect_vreg.gather [hbm4b:s3+s2], $0x80, v4, vm0, $0xb8;
	[tilespmem:$0x10100] =	vst v63  }
0x1f: {  	v3 =	vperm.xlane v3, v2  }
0x20: {  	[tilespmem:s21], [sflag:$0x1] =	stream.indirect_vreg.gather [hbm4b:s4+s2], $0x80, v4, vm0, $0xb8;
	[tilespmem:$0x10100] =	vst v63  }
0x21: {  	v3 =	vadd.s32 v1, v3  }
0x22: {  	[tilespmem:s22], [sflag:$0x1] =	stream.indirect_vreg.gather [hbm4b:s6+s2], $0x80, v4, vm0, $0xb8;
	[tilespmem:$0x10100] =	vst v63  }
0x23: {  	_ = 	snop  }
0x24: {  	[tilespmem:s23], [sflag:$0x1] =	stream.indirect_vreg.gather [hbm4b:s7+s2], $0x80, v4, vm0, $0xb8;
	[tilespmem:$0x10100] =	vst v63  }
0x25: {  	_ = 	snop  }
0x26: {  	[tilespmem:s24], [sflag:$0x1] =	stream.indirect_vreg.gather [hbm4b:s3+s2], $0x80, v3, vm0, $0xb8;
	[tilespmem:$0x10100] =	vst v63  }
0x27: {  	_ = 	snop  }
0x28: {  	[tilespmem:s25], [sflag:$0x1] =	stream.indirect_vreg.gather [hbm4b:s4+s2], $0x80, v3, vm0, $0xb8;
	[tilespmem:$0x10100] =	vst v63  }
0x29: {  	_ = 	snop  }
0x2a: {  	[tilespmem:s26], [sflag:$0x1] =	stream.indirect_vreg.gather [hbm4b:s6+s2], $0x80, v3, vm0, $0xb8;
	[tilespmem:$0x10100] =	vst v63  }
0x2b: {  	_ = 	snop  }
0x2c: {  	[tilespmem:s28], [sflag:$0x1] =	stream.indirect_vreg.gather [hbm4b:s7+s2], $0x80, v3, vm0, $0xb8;
	[tilespmem:$0x10100] =	vst v63  }
0x2d: {  	v3 =	vld [tilespmem:$0x10];
	_ =	sdelay $0x4  }
0x2e: {  	v57 =	vshll.u32 v3, $0x3  }
0x2f: {  	v3 =	vand.u32 $0x7, v3;
	v4 =	vand.u32 $0xFFFFFFC0, v57  }
0x30: {  	v3 =	vor.u32 v3, v4  }
0x31: {  	v4 =	vperm.xlane v3, v0;
	_ =	sdelay $0x1  }
0x32: {  	v4 =	vadd.s32 v1, v4;
	_ =	sdelay $0x4  }
0x33: {  	[tilespmem:s29], [sflag:$0x1] =	stream.indirect_vreg.gather [hbm4b:s3+s2], $0x80, v4, vm0, $0xb8;
	[tilespmem:$0x10100] =	vst v63  }
0x34: {  	v3 =	vperm.xlane v3, v2  }
0x35: {  	[tilespmem:s30], [sflag:$0x1] =	stream.indirect_vreg.gather [hbm4b:s4+s2], $0x80, v4, vm0, $0xb8;
	[tilespmem:$0x10100] =	vst v63  }
0x36: {  	v3 =	vadd.s32 v1, v3  }
0x37: {  	[tilespmem:s31], [sflag:$0x1] =	stream.indirect_vreg.gather [hbm4b:s6+s2], $0x80, v4, vm0, $0xb8;
	[tilespmem:$0x10100] =	vst v63  }
0x38: {  	s1 =	simm.s32 $0x5900  }
0x39: {  	[tilespmem:s1], [sflag:$0x1] =	stream.indirect_vreg.gather [hbm4b:s7+s2], $0x80, v4, vm0, $0xb8;
	[tilespmem:$0x10100] =	vst v63  }
0x3a: {  	s1 =	simm.s32 $0x6100  }
0x3b: {  	[tilespmem:s1], [sflag:$0x1] =	stream.indirect_vreg.gather [hbm4b:s3+s2], $0x80, v3, vm0, $0xb8;
	[tilespmem:$0x10100] =	vst v63  }
0x3c: {  	_ = 	snop  }
0x3d: {  	[tilespmem:s11], [sflag:$0x1] =	stream.indirect_vreg.gather [hbm4b:s4+s2], $0x80, v3, vm0, $0xb8;
	[tilespmem:$0x10100] =	vst v63  }
0x3e: {  	_ = 	snop  }
0x3f: {  	[tilespmem:s12], [sflag:$0x1] =	stream.indirect_vreg.gather [hbm4b:s6+s2], $0x80, v3, vm0, $0xb8;
	[tilespmem:$0x10100] =	vst v63  }
0x40: {  	_ = 	snop  }
0x41: {  	[tilespmem:s13], [sflag:$0x1] =	stream.indirect_vreg.gather [hbm4b:s7+s2], $0x80, v3, vm0, $0xb8;
	[tilespmem:$0x10100] =	vst v63  }
0x42: {  	v3 =	vld [tilespmem:$0x20];
	_ =	sdelay $0x4  }
0x43: {  	v58 =	vshll.u32 v3, $0x3  }
0x44: {  	v3 =	vand.u32 $0x7, v3;
	v4 =	vand.u32 $0xFFFFFFC0, v58  }
0x45: {  	v3 =	vor.u32 v3, v4  }
0x46: {  	v4 =	vperm.xlane v3, v0;
	_ =	sdelay $0x1  }
0x47: {  	v4 =	vadd.s32 v1, v4;
	_ =	sdelay $0x4  }
0x48: {  	[tilespmem:s5], [sflag:$0x1] =	stream.indirect_vreg.gather [hbm4b:s3+s2], $0x80, v4, vm0, $0xb8;
	[tilespmem:$0x10100] =	vst v63  }
0x49: {  	v3 =	vperm.xlane v3, v2  }
0x4a: {  	[tilespmem:s14], [sflag:$0x1] =	stream.indirect_vreg.gather [hbm4b:s4+s2], $0x80, v4, vm0, $0xb8;
	[tilespmem:$0x10100] =	vst v63  }
0x4b: {  	v3 =	vadd.s32 v1, v3  }
0x4c: {  	[tilespmem:s15], [sflag:$0x1] =	stream.indirect_vreg.gather [hbm4b:s6+s2], $0x80, v4, vm0, $0xb8;
	[tilespmem:$0x10100] =	vst v63  }
0x4d: {  	_ = 	snop  }
0x4e: {  	[tilespmem:s16], [sflag:$0x1] =	stream.indirect_vreg.gather [hbm4b:s7+s2], $0x80, v4, vm0, $0xb8;
	[tilespmem:$0x10100] =	vst v63  }
0x4f: {  	_ = 	snop  }
0x50: {  	[tilespmem:s17], [sflag:$0x1] =	stream.indirect_vreg.gather [hbm4b:s3+s2], $0x80, v3, vm0, $0xb8;
	[tilespmem:$0x10100] =	vst v63  }
0x51: {  	_ = 	snop  }
0x52: {  	[tilespmem:s18], [sflag:$0x1] =	stream.indirect_vreg.gather [hbm4b:s4+s2], $0x80, v3, vm0, $0xb8;
	[tilespmem:$0x10100] =	vst v63  }
0x53: {  	_ = 	snop  }
0x54: {  	[tilespmem:s10], [sflag:$0x1] =	stream.indirect_vreg.gather [hbm4b:s6+s2], $0x80, v3, vm0, $0xb8;
	[tilespmem:$0x10100] =	vst v63  }
0x55: {  	s20 =	simm.s32 $0xB900  }
0x56: {  	[tilespmem:s20], [sflag:$0x1] =	stream.indirect_vreg.gather [hbm4b:s7+s2], $0x80, v3, vm0, $0xb8;
	[tilespmem:$0x10100] =	vst v63  }
0x57: {  	v3 =	vld [tilespmem:$0x30];
	_ =	sdelay $0x4  }
0x58: {  	v59 =	vshll.u32 v3, $0x3  }
0x59: {  	v3 =	vand.u32 $0x7, v3;
	v4 =	vand.u32 $0xFFFFFFC0, v59  }
0x5a: {  	v3 =	vor.u32 v3, v4  }
0x5b: {  	v4 =	vperm.xlane v3, v0;
	_ =	sdelay $0x1  }
0x5c: {  	v4 =	vadd.s32 v1, v4;
	_ =	sdelay $0x3  }
0x5d: {  	s20 =	simm.s32 $0xC100  }
0x5e: {  	[tilespmem:s20], [sflag:$0x1] =	stream.indirect_vreg.gather [hbm4b:s3+s2], $0x80, v4, vm0, $0xb8;
	[tilespmem:$0x10100] =	vst v63  }
0x5f: {  	v3 =	vperm.xlane v3, v2;
	s20 =	simm.s32 $0xC900  }
0x60: {  	[tilespmem:s20], [sflag:$0x1] =	stream.indirect_vreg.gather [hbm4b:s4+s2], $0x80, v4, vm0, $0xb8;
	[tilespmem:$0x10100] =	vst v63  }
0x61: {  	v3 =	vadd.s32 v1, v3;
	s20 =	simm.s32 $0xD100  }
0x62: {  	[tilespmem:s20], [sflag:$0x1] =	stream.indirect_vreg.gather [hbm4b:s6+s2], $0x80, v4, vm0, $0xb8;
	[tilespmem:$0x10100] =	vst v63  }
0x63: {  	s20 =	simm.s32 $0xD900  }
0x64: {  	[tilespmem:s20], [sflag:$0x1] =	stream.indirect_vreg.gather [hbm4b:s7+s2], $0x80, v4, vm0, $0xb8;
	[tilespmem:$0x10100] =	vst v63  }
0x65: {  	s20 =	simm.s32 $0xE100  }
0x66: {  	[tilespmem:s20], [sflag:$0x1] =	stream.indirect_vreg.gather [hbm4b:s3+s2], $0x80, v3, vm0, $0xb8;
	[tilespmem:$0x10100] =	vst v63  }
0x67: {  	s20 =	simm.s32 $0xE900  }
0x68: {  	[tilespmem:s20], [sflag:$0x1] =	stream.indirect_vreg.gather [hbm4b:s4+s2], $0x80, v3, vm0, $0xb8;
	[tilespmem:$0x10100] =	vst v63  }
0x69: {  	s20 =	simm.s32 $0xF100  }
0x6a: {  	[tilespmem:s20], [sflag:$0x1] =	stream.indirect_vreg.gather [hbm4b:s6+s2], $0x80, v3, vm0, $0xb8;
	[tilespmem:$0x10100] =	vst v63  }
0x6b: {  	s20 =	simm.s32 $0xF900  }
0x6c: {  	[tilespmem:s20], [sflag:$0x1] =	stream.indirect_vreg.gather [hbm4b:s7+s2], $0x80, v3, vm0, $0xb8;
	[tilespmem:$0x10100] =	vst v63  }
0x6d: {  	_ =	swait.ge [sflag:s19], $0x10000  }
0x6e: {  	[sflag:s19] =	ssyncset.done $0x0  }
0x6f: {  	s20 =	rddreg [dreg:$0x5];
	[sflag:s19] =	ssyncadd.s32 $0xFFFF0000  }
0x70: {  	[hbm4b:s20+s2] =	stream.linear.scatter [tilespmem:s0], [sflag:$0x2], $0x10000, $0x38;
	[tilespmem:$0x10100] =	vst v63  }
0x71: {  	_ =	swait.ge [sflag:s9], $0x10000  }
0x72: {  	[sflag:s9] =	ssyncset.done $0x0  }
0x73: {  	[sflag:s9] =	ssyncadd.s32 $0xFFFF0000  }
0x74: {  	v3 =	vld [tilespmem:$0x80];
	_ =	sdelay $0x4  }
0x75: {  	v60 =	vshll.u32 v3, $0x3  }
0x76: {  	v3 =	vand.u32 $0x7, v3;
	v4 =	vand.u32 $0xFFFFFFC0, v60  }
0x77: {  	v3 =	vor.u32 v3, v4  }
0x78: {  	v4 =	vperm.xlane v3, v0;
	_ =	sdelay $0x1  }
0x79: {  	v4 =	vadd.s32 v1, v4;
	_ =	sdelay $0x4  }
0x7a: {  	[tilespmem:s0], [sflag:$0x1] =	stream.indirect_vreg.gather [hbm4b:s3+s2], $0x80, v4, vm0, $0xb8;
	[tilespmem:$0x10100] =	vst v63  }
0x7b: {  	v3 =	vperm.xlane v3, v2  }
0x7c: {  	[tilespmem:s21], [sflag:$0x1] =	stream.indirect_vreg.gather [hbm4b:s4+s2], $0x80, v4, vm0, $0xb8;
	[tilespmem:$0x10100] =	vst v63  }
0x7d: {  	v3 =	vadd.s32 v1, v3  }
0x7e: {  	[tilespmem:s22], [sflag:$0x1] =	stream.indirect_vreg.gather [hbm4b:s6+s2], $0x80, v4, vm0, $0xb8;
	[tilespmem:$0x10100] =	vst v63  }
0x7f: {  	_ = 	snop  }
0x80: {  	[tilespmem:s23], [sflag:$0x1] =	stream.indirect_vreg.gather [hbm4b:s7+s2], $0x80, v4, vm0, $0xb8;
	[tilespmem:$0x10100] =	vst v63  }
0x81: {  	_ = 	snop  }
0x82: {  	[tilespmem:s24], [sflag:$0x1] =	stream.indirect_vreg.gather [hbm4b:s3+s2], $0x80, v3, vm0, $0xb8;
	[tilespmem:$0x10100] =	vst v63  }
0x83: {  	_ = 	snop  }
0x84: {  	[tilespmem:s25], [sflag:$0x1] =	stream.indirect_vreg.gather [hbm4b:s4+s2], $0x80, v3, vm0, $0xb8;
	[tilespmem:$0x10100] =	vst v63  }
0x85: {  	_ = 	snop  }
0x86: {  	[tilespmem:s26], [sflag:$0x1] =	stream.indirect_vreg.gather [hbm4b:s6+s2], $0x80, v3, vm0, $0xb8;
	[tilespmem:$0x10100] =	vst v63  }
0x87: {  	_ = 	snop  }
0x88: {  	[tilespmem:s28], [sflag:$0x1] =	stream.indirect_vreg.gather [hbm4b:s7+s2], $0x80, v3, vm0, $0xb8;
	[tilespmem:$0x10100] =	vst v63  }
0x89: {  	v3 =	vld [tilespmem:$0x90];
	_ =	sdelay $0x4  }
0x8a: {  	v61 =	vshll.u32 v3, $0x3  }
0x8b: {  	v3 =	vand.u32 $0x7, v3;
	v4 =	vand.u32 $0xFFFFFFC0, v61  }
0x8c: {  	v3 =	vor.u32 v3, v4  }
0x8d: {  	v4 =	vperm.xlane v3, v0;
	_ =	sdelay $0x1  }
0x8e: {  	v4 =	vadd.s32 v1, v4;
	_ =	sdelay $0x4  }
0x8f: {  	[tilespmem:s29], [sflag:$0x1] =	stream.indirect_vreg.gather [hbm4b:s3+s2], $0x80, v4, vm0, $0xb8;
	[tilespmem:$0x10100] =	vst v63  }
0x90: {  	v3 =	vperm.xlane v3, v2  }
0x91: {  	[tilespmem:s30], [sflag:$0x1] =	stream.indirect_vreg.gather [hbm4b:s4+s2], $0x80, v4, vm0, $0xb8;
	[tilespmem:$0x10100] =	vst v63  }
0x92: {  	v3 =	vadd.s32 v1, v3  }
0x93: {  	[tilespmem:s31], [sflag:$0x1] =	stream.indirect_vreg.gather [hbm4b:s6+s2], $0x80, v4, vm0, $0xb8;
	[tilespmem:$0x10100] =	vst v63  }
0x94: {  	s20 =	simm.s32 $0x5900  }
0x95: {  	[tilespmem:s20], [sflag:$0x1] =	stream.indirect_vreg.gather [hbm4b:s7+s2], $0x80, v4, vm0, $0xb8;
	[tilespmem:$0x10100] =	vst v63  }
0x96: {  	_ = 	snop  }
0x97: {  	[tilespmem:s1], [sflag:$0x1] =	stream.indirect_vreg.gather [hbm4b:s3+s2], $0x80, v3, vm0, $0xb8;
	[tilespmem:$0x10100] =	vst v63  }
0x98: {  	_ = 	snop  }
0x99: {  	[tilespmem:s11], [sflag:$0x1] =	stream.indirect_vreg.gather [hbm4b:s4+s2], $0x80, v3, vm0, $0xb8;
	[tilespmem:$0x10100] =	vst v63  }
0x9a: {  	_ = 	snop  }
0x9b: {  	[tilespmem:s12], [sflag:$0x1] =	stream.indirect_vreg.gather [hbm4b:s6+s2], $0x80, v3, vm0, $0xb8;
	[tilespmem:$0x10100] =	vst v63  }
0x9c: {  	_ = 	snop  }
0x9d: {  	[tilespmem:s13], [sflag:$0x1] =	stream.indirect_vreg.gather [hbm4b:s7+s2], $0x80, v3, vm0, $0xb8;
	[tilespmem:$0x10100] =	vst v63  }
0x9e: {  	v3 =	vld [tilespmem:$0xA0];
	_ =	sdelay $0x4  }
0x9f: {  	v62 =	vshll.u32 v3, $0x3  }
0xa0: {  	v3 =	vand.u32 $0x7, v3;
	v4 =	vand.u32 $0xFFFFFFC0, v62  }
0xa1: {  	v3 =	vor.u32 v3, v4  }
0xa2: {  	v4 =	vperm.xlane v3, v0;
	_ =	sdelay $0x1  }
0xa3: {  	v4 =	vadd.s32 v1, v4;
	_ =	sdelay $0x4  }
0xa4: {  	[tilespmem:s5], [sflag:$0x1] =	stream.indirect_vreg.gather [hbm4b:s3+s2], $0x80, v4, vm0, $0xb8;
	[tilespmem:$0x10100] =	vst v63  }
0xa5: {  	v3 =	vperm.xlane v3, v2  }
0xa6: {  	[tilespmem:s14], [sflag:$0x1] =	stream.indirect_vreg.gather [hbm4b:s4+s2], $0x80, v4, vm0, $0xb8;
	[tilespmem:$0x10100] =	vst v63  }
0xa7: {  	v3 =	vadd.s32 v1, v3  }
0xa8: {  	[tilespmem:s15], [sflag:$0x1] =	stream.indirect_vreg.gather [hbm4b:s6+s2], $0x80, v4, vm0, $0xb8;
	[tilespmem:$0x10100] =	vst v63  }
0xa9: {  	_ = 	snop  }
0xaa: {  	[tilespmem:s16], [sflag:$0x1] =	stream.indirect_vreg.gather [hbm4b:s7+s2], $0x80, v4, vm0, $0xb8;
	[tilespmem:$0x10100] =	vst v63  }
0xab: {  	_ = 	snop  }
0xac: {  	[tilespmem:s17], [sflag:$0x1] =	stream.indirect_vreg.gather [hbm4b:s3+s2], $0x80, v3, vm0, $0xb8;
	[tilespmem:$0x10100] =	vst v63  }
0xad: {  	_ = 	snop  }
0xae: {  	[tilespmem:s18], [sflag:$0x1] =	stream.indirect_vreg.gather [hbm4b:s4+s2], $0x80, v3, vm0, $0xb8;
	[tilespmem:$0x10100] =	vst v63  }
0xaf: {  	_ = 	snop  }
0xb0: {  	[tilespmem:s10], [sflag:$0x1] =	stream.indirect_vreg.gather [hbm4b:s6+s2], $0x80, v3, vm0, $0xb8;
	[tilespmem:$0x10100] =	vst v63  }
0xb1: {  	s20 =	simm.s32 $0xB900  }
0xb2: {  	[tilespmem:s20], [sflag:$0x1] =	stream.indirect_vreg.gather [hbm4b:s7+s2], $0x80, v3, vm0, $0xb8;
	[tilespmem:$0x10100] =	vst v63  }
0xb3: {  	v3 =	vld [tilespmem:$0xB0];
	_ =	sdelay $0x4  }
0xb4: {  	v63 =	vshll.u32 v3, $0x3  }
0xb5: {  	v3 =	vand.u32 $0x7, v3;
	v4 =	vand.u32 $0xFFFFFFC0, v63  }
0xb6: {  	v3 =	vor.u32 v3, v4  }
0xb7: {  	v4 =	vperm.xlane v3, v0;
	_ =	sdelay $0x1  }
0xb8: {  	v4 =	vadd.s32 v1, v4;
	_ =	sdelay $0x3  }
0xb9: {  	s20 =	simm.s32 $0xC100  }
0xba: {  	[tilespmem:s20], [sflag:$0x1] =	stream.indirect_vreg.gather [hbm4b:s3+s2], $0x80, v4, vm0, $0xb8;
	[tilespmem:$0x10100] =	vst v63  }
0xbb: {  	v3 =	vperm.xlane v3, v2;
	s20 =	simm.s32 $0xC900  }
0xbc: {  	[tilespmem:s20], [sflag:$0x1] =	stream.indirect_vreg.gather [hbm4b:s4+s2], $0x80, v4, vm0, $0xb8;
	[tilespmem:$0x10100] =	vst v63  }
0xbd: {  	v3 =	vadd.s32 v1, v3;
	s20 =	simm.s32 $0xD100  }
0xbe: {  	[tilespmem:s20], [sflag:$0x1] =	stream.indirect_vreg.gather [hbm4b:s6+s2], $0x80, v4, vm0, $0xb8;
	[tilespmem:$0x10100] =	vst v63  }
0xbf: {  	s20 =	simm.s32 $0xD900  }
0xc0: {  	[tilespmem:s20], [sflag:$0x1] =	stream.indirect_vreg.gather [hbm4b:s7+s2], $0x80, v4, vm0, $0xb8;
	[tilespmem:$0x10100] =	vst v63  }
0xc1: {  	s20 =	simm.s32 $0xE100  }
0xc2: {  	[tilespmem:s20], [sflag:$0x1] =	stream.indirect_vreg.gather [hbm4b:s3+s2], $0x80, v3, vm0, $0xb8;
	[tilespmem:$0x10100] =	vst v63  }
0xc3: {  	s20 =	simm.s32 $0xE900  }
0xc4: {  	[tilespmem:s20], [sflag:$0x1] =	stream.indirect_vreg.gather [hbm4b:s4+s2], $0x80, v3, vm0, $0xb8;
	[tilespmem:$0x10100] =	vst v63  }
0xc5: {  	s20 =	simm.s32 $0xF100  }
0xc6: {  	[tilespmem:s20], [sflag:$0x1] =	stream.indirect_vreg.gather [hbm4b:s6+s2], $0x80, v3, vm0, $0xb8;
	[tilespmem:$0x10100] =	vst v63  }
0xc7: {  	s20 =	simm.s32 $0xF900  }
0xc8: {  	[tilespmem:s20], [sflag:$0x1] =	stream.indirect_vreg.gather [hbm4b:s7+s2], $0x80, v3, vm0, $0xb8;
	[tilespmem:$0x10100] =	vst v63  }
0xc9: {  	_ =	swait.ge [sflag:s19], $0x10000  }
0xca: {  	p0 =	sne.s32 s8, $0x1;
	[sflag:s19] =	ssyncset.done $0x0  }
.Ltmp0:
0xcb: {  	s1 =	rddreg [dreg:$0x4];
	[sflag:s19] =	ssyncadd.s32 $0xFFFF0000;
	(pc) =	sbr.rel @p0 .LBB2_1-.Ltmp0, $4  }
0xcc: {  	[hbm4b:s1+s2] =	stream.linear.scatter [tilespmem:s0], [sflag:$0x2], $0x10000, $0x38;
	[tilespmem:$0x10100] =	vst v63  }
0xcd: {  	_ =	swait.ge [sflag:s9], $0x10000  }
0xce: {  	[sflag:s9] =	ssyncset.done $0x0  }
0xcf: {  	s8 =	sadd.s32 $0xFFFFFFFF, s8;
	[sflag:s9] =	ssyncadd.s32 $0xFFFF0000  }
0xd0: {  	_ =	sfence.sel $0x180000  }
0xd1: {  	[bflag:$0x0] =	sbarrier.arrive $0xFFFF  }
0xd2: {  	_ =	strace $0x9000004A  }
0xd3: {  	s0 =	stileid.u32;
	[bflag:$0x2] =	sbarrier.arrive $0xFFFF  }
0xd4: {  	p0 =	sne.s32 s0, $0x0;
	s0 =	rddreg [dreg:$0x2]  }
0xd5: {  	s0 =	sadd.s32 @!p0 $0x100000, s0  }
0xd6: {  	[sflag:s0] =	ssyncadd.tile.s32 @!p0 $0x1;
	_ =	shalt  }
.Lfunc_end2:
_tile_overlayer_lowered:
.L_overlay_start_2:
0xd7: {  	(tag) =	ssettag $0x2  }
0xd8: {  	s0 =	rddreg [dreg:$0x0];
	s2 =	stileid.u32  }
0xd9: {  	s1 =	rddreg [dreg:$0x1];
	p0 =	sne.s32 s2, $0x0  }
0xda: {  	s3 =	rddreg [dreg:$0x2];
	[bflag:$0x3] =	sbarrier.arrive $0xFFFF;
	s2 =	simm.s32 @!p0 $0x1C02  }
0xdb: {  	[timem:s3], [sflag:s2] =	dma.local @!p0 [hbm:s0], s1  }
0xdc: {  	s0 =	simm.s32 @!p0 $0x2  }
0xdd: {  	_ =	swait.ge @!p0 [sflag:s0], s1  }
0xde: {  	s1 =	ssub.s32 @!p0 $0x0, s1;
	[sflag:s0] =	ssyncset.done @!p0 $0x0  }
0xdf: {  	[sflag:s0] =	ssyncadd.s32 @!p0 s1  }
0xe0: {  	[bflag:$0x3] =	sbarrier.arrive $0xFFFF  }
0xe1: {  	_ =	shalt  }

// kernel: kernel.7.cloned.1.call-start
scs
__scs_entry_jumppad:
0x0: {  	(pc) =	sbr.rel $0x88, $3  }
0x1: {  	(tag) =	ssettag $0x0;
	lr =	simm.s32 $0x1  }
0x2: {  	[smem:$0x3F99] =	sst lr;
	_ =	strace $0xD0000000  }
0x3: {  	_ = 	snop  }
0x4: {  	_ = 	snop  }
0x5: {  	_ = 	snop  }
0x6: {  	_ = 	snop  }
0x7: {  	_ = 	snop  }
__scs_overlays_trampoline_lowered:
0x8: {  	[smem:$0x3FA8] =	sst s0  }
0x9: {  	[smem:$0x3FA9] =	sst s1  }
0xa: {  	[smem:$0x3FAA] =	sst s2  }
0xb: {  	[smem:$0x3FAB] =	sst s3  }
0xc: {  	[smem:$0x3FAC] =	sst s4  }
0xd: {  	[smem:$0x3FAD] =	sst s5  }
0xe: {  	[smem:$0x3FAE] =	sst s6  }
0xf: {  	[smem:$0x3FAF] =	sst s7  }
0x10: {  	[smem:$0x3FB0] =	sst s8  }
0x11: {  	[smem:$0x3FB1] =	sst s9;
	s0 =	simm.s32 @!p0 $0x0  }
0x12: {  	s1 =	sld [smem:$0x3F97];
	s0 =	simm.s32 @p0 $0x1  }
0x13: {  	[smem:$0x3FB2] =	sst s0;
	s0 =	simm.s32 @!p1 $0x0  }
0x14: {  	s2 =	sld [smem:$0x3F96];
	s0 =	simm.s32 @p1 $0x1  }
0x15: {  	[smem:$0x3FB3] =	sst s0;
	s0 =	simm.s32 @!p2 $0x0  }
0x16: {  	s3 =	sld [smem:$0x3FDB];
	s0 =	simm.s32 @p2 $0x1  }
0x17: {  	s4 =	simm.s32 $0x1BF5;
	[smem:$0x3FB5] =	sst s0  }
0x18: {  	s0 =	sld [smem:$0x3F98];
	_ =	swait.ge [sflag:s4], $0x0  }
0x19: {  	s7 =	sld [smem:$0x3F99]  }
0x1a: {  	s8 =	sadd.s32 $0xFFFFE003, lr  }
0x1b: {  	s9 =	sadd.s32 $0xFFFFFEF7, lr;
	s5 =	simm.s32 $0xFFFFFFFF;
	p2 =	slt.u32 s8, $0xFFFFF086  }
0x1c: {  	p1 =	slt.u32 s9, $0xF7A;
	s5 =	simm.s32 @!p2 $0x0  }
0x1d: {  	s5 =	simm.s32 @p1 $0x1;
	p0 =	seq.s32 s7, s2  }
0x1e: {  	s7 =	smul.u32 @!p0 $0xF7A, s2;
	p2 =	seq.s32 @!p0 s5, $0x0  }
0x1f: {  	s9 =	smul.u32 $0xF7A, s1;
	s8 =	simm.s32 @!p0 $0x1BF5;
	p2 =	por !p2, p0  }
0x20: {  	[sflag:s8] =	ssyncset.s32 @!p0 $0xFFFFF086;
	s6 =	sadd.s32 @!p0 s3, s7;
	s7 =	simm.s32 @!p0 $0x108  }
0x21: {  	s3 =	sadd.s32 s3, s9;
	s6 =	sadd.s32 @!p0 $0x88, s6;
	s7 =	simm.s32 @p2 $0x1082  }
0x22: {  	[simem:s7], [sflag:s8] =	dma.local @!p0 [hbm:s6], $0xF7A  }
0x23: {  	s9 =	sor.u32 $0xD0000000, s2;
	s6 =	simm.s32 $0x108;
	_ =	swait.ge @!p0 [sflag:s8], $0x0  }
0x24: {  	s3 =	sadd.s32 $0x88, s3;
	s6 =	simm.s32 @!p1 $0x1082;
	[sflag:s4] =	ssyncset.s32 $0xFFFFF086  }
0x25: {  	[simem:s6], [sflag:s4] =	dma.local [hbm:s3], $0xF7A  }
0x26: {  	[smem:$0x3F99] =	sst s1;
	(tag) =	ssettag s2;
	_ =	strace s9  }
0x27: {  	s1 =	sld [smem:$0x3FA9]  }
0x28: {  	s2 =	sld [smem:$0x3FAA]  }
0x29: {  	s4 =	sld [smem:$0x3FAC]  }
0x2a: {  	p0 =	seq.s32 s5, $0x0;
	s5 =	sld [smem:$0x3FAD]  }
0x2b: {  	s6 =	sld [smem:$0x3FAE]  }
0x2c: {  	s7 =	sld [smem:$0x3FAF]  }
0x2d: {  	s3 =	simm.s32 $0x108;
	s8 =	sld [smem:$0x3FB0]  }
0x2e: {  	s3 =	simm.s32 @!p0 $0x1082;
	s9 =	sld [smem:$0x3FB1]  }
0x2f: {  	lr =	sadd.s32 s0, s3;
	s0 =	sld [smem:$0x3FA8]  }
0x30: {  	s3 =	sld [smem:$0x3FAB]  }
0x31: {  	[smem:$0x3FB4] =	sst s10  }
0x32: {  	s10 =	sld [smem:$0x3FB2];
	_ =	sdelay $0x3  }
0x33: {  	p0 =	seq.s32 s10, $0x1;
	s10 =	sld [smem:$0x3FB4];
	_ =	sdelay $0x3  }
0x34: {  	[smem:$0x3FB4] =	sst s10  }
0x35: {  	s10 =	sld [smem:$0x3FB3];
	_ =	sdelay $0x3  }
0x36: {  	p1 =	seq.s32 s10, $0x1;
	s10 =	sld [smem:$0x3FB4];
	_ =	sdelay $0x3  }
0x37: {  	[smem:$0x3FB4] =	sst s10  }
0x38: {  	s10 =	sld [smem:$0x3FB5]  }
0x39: {  	_ = 	snop;
	(pc) =	sbr.ind lr, $3  }
0x3a: {  	_ = 	snop  }
0x3b: {  	_ = 	snop  }
0x3c: {  	p2 =	seq.s32 s10, $0x1;
	s10 =	sld [smem:$0x3FB4]  }
0x3d: {  	_ =	shalt  }
0x3e: {  	_ =	shalt  }
0x3f: {  	_ =	shalt  }
0x40: {  	_ =	shalt  }
0x41: {  	_ =	shalt  }
0x42: {  	_ =	shalt  }
0x43: {  	_ =	shalt  }
0x44: {  	_ =	shalt  }
0x45: {  	_ =	shalt  }
0x46: {  	_ =	shalt  }
0x47: {  	_ =	shalt  }
0x48: {  	_ =	shalt  }
0x49: {  	_ =	shalt  }
0x4a: {  	_ =	shalt  }
0x4b: {  	_ =	shalt  }
0x4c: {  	_ =	shalt  }
0x4d: {  	_ =	shalt  }
0x4e: {  	_ =	shalt  }
0x4f: {  	_ =	shalt  }
0x50: {  	_ =	shalt  }
0x51: {  	_ =	shalt  }
0x52: {  	_ =	shalt  }
0x53: {  	_ =	shalt  }
0x54: {  	_ =	shalt  }
0x55: {  	_ =	shalt  }
0x56: {  	_ =	shalt  }
0x57: {  	_ =	shalt  }
0x58: {  	_ =	shalt  }
0x59: {  	_ =	shalt  }
0x5a: {  	_ =	shalt  }
0x5b: {  	_ =	shalt  }
0x5c: {  	_ =	shalt  }
0x5d: {  	_ =	shalt  }
0x5e: {  	_ =	shalt  }
0x5f: {  	_ =	shalt  }
0x60: {  	_ =	shalt  }
0x61: {  	_ =	shalt  }
0x62: {  	_ =	shalt  }
0x63: {  	_ =	shalt  }
0x64: {  	_ =	shalt  }
0x65: {  	_ =	shalt  }
0x66: {  	_ =	shalt  }
0x67: {  	_ =	shalt  }
0x68: {  	_ =	shalt  }
0x69: {  	_ =	shalt  }
0x6a: {  	_ =	shalt  }
0x6b: {  	_ =	shalt  }
0x6c: {  	_ =	shalt  }
0x6d: {  	_ =	shalt  }
0x6e: {  	_ =	shalt  }
0x6f: {  	_ =	shalt  }
0x70: {  	_ =	shalt  }
0x71: {  	_ =	shalt  }
0x72: {  	_ =	shalt  }
0x73: {  	_ =	shalt  }
0x74: {  	_ =	shalt  }
0x75: {  	_ =	shalt  }
0x76: {  	_ =	shalt  }
0x77: {  	_ =	shalt  }
0x78: {  	_ =	shalt  }
0x79: {  	_ =	shalt  }
0x7a: {  	_ =	shalt  }
0x7b: {  	_ =	shalt  }
0x7c: {  	_ =	shalt  }
0x7d: {  	_ =	shalt  }
0x7e: {  	_ =	shalt  }
0x7f: {  	_ =	shalt  }
0x80: {  	_ =	shalt  }
0x81: {  	_ =	shalt  }
0x82: {  	_ =	shalt  }
0x83: {  	_ =	shalt  }
0x84: {  	_ =	shalt  }
0x85: {  	_ =	shalt  }
0x86: {  	_ =	shalt  }
0x87: {  	_ =	shalt  }
.Lfunc_end0:
.L_simem_size_0:
called_computation_lowered:
.L_overlay_start_0:
0x88: {  	s2 =	sld [smem:$0x3FD9]  }
0x89: {  	s3 =	sld [smem:$0x3FFE];
	_ =	sdelay $0x1  }
0x8a: {  	s1 =	srdreg.scid  }
0x8b: {  	s0 =	sand.u32 $0x1, s1  }
0x8c: {  	s17 =	sshll.u32 s0, $0xA;
	s2 =	sadd.s32 s3, s2  }
0x8d: {  	s2 =	sadd.s32 s2, s17  }
0x8e: {  	[smem:$0x3FC0] =	sst s2  }
0x8f: {  	_ = 	snop  }
0x90: {  	s2 =	sld [smem:$0x3FD0];
	(tm) =	ssettm $0x1  }
0x91: {  	s18 =	sld [smem:$0x3FFB];
	_ =	sdelay $0x3  }
0x92: {  	_ =	strace s18  }
0x93: {  	s3 =	sld [smem:$0x3FFC];
	_ =	sdelay $0x3  }
0x94: {  	_ =	strace s3  }
0x95: {  	s3 =	sld [smem:$0x3FFD];
	_ =	sdelay $0x3  }
0x96: {  	_ =	strace s3  }
0x97: {  	_ =	strace $0x8FFFFFFF  }
0x98: {  	s19 =	sld [smem:$0x3FDB];
	_ =	sdelay $0x1  }
0x99: {  	s4 =	simm.s32 $_scs_section_size  }
0x9a: {  	s5 =	simm.s32 $_size__tile_overlayer_lowered;
	s6 =	simm.s32 $_tile_overlayer_lowered  }
0x9b: {  	s22 =	simm.s32 $0x1BFF;
	s21 =	sshll.u32 s6, $0x1;
	s3 =	sadd.s32 s4, s19  }
0x9c: {  	s7 =	simm.s32 $0x0;
	s20 =	sshll.u32 s5, $0x1;
	s5 =	sadd.s32 s21, s3  }
0x9d: {  	[timem:s7], [sflag:s22] =	dma.local [hbm:s5], s20  }
0x9e: {  	_ =	swait.ge [sflag:s22], s20  }
0x9f: {  	s4 =	ssub.s32 $0x0, s20;
	[sflag:s22] =	ssyncset.done $0x0  }
0xa0: {  	[sflag:s22] =	ssyncadd.s32 s4;
	_ =	sdelay $0x1  }
0xa1: {  	s23 =	simm.s32 $0x1B8B  }
0xa2: {  	_ =	swait.ge [sflag:s23], $0x1  }
0xa3: {  	[sflag:s23] =	ssyncset.done $0x0  }
0xa4: {  	s25 =	simm.s32 $0x1B8E;
	s24 =	sld [smem:$0x3FFE];
	[sflag:s23] =	ssyncadd.s32 $0xFFFFFFFF  }
0xa5: {  	s26 =	simm.s32 $execute0_lowered;
	[smem:$0x3FD2] =	sst s25  }
0xa6: {  	s5 =	sshll.u32 s26, $0x1;
	_ =	strace $0x80000046;
	[dreg:$0x1] =	wrdreg $0xFFFFFFFF  }
0xa7: {  	s28 =	simm.s32 $_size_execute0_lowered;
	s3 =	sadd.s32 s3, s5;
	[dreg:$0x0] =	wrdreg $0x0  }
0xa8: {  	s5 =	sshll.u32 s28, $0x1;
	[dreg:$0x2] =	wrdreg s3  }
0xa9: {  	[dreg:$0x3] =	wrdreg s5  }
0xaa: {  	[dreg:$0x4] =	wrdreg $0xC0  }
0xab: {  	_ =	task [dreg:s7], $0x5FFFF  }
0xac: {  	[dreg:$0x1] =	wrdreg $0xFFFFFFFF  }
0xad: {  	[dreg:$0x0] =	wrdreg $0x60  }
0xae: {  	[dreg:$0x2] =	wrdreg s24  }
0xaf: {  	[dreg:$0x3] =	wrdreg s2  }
0xb0: {  	[dreg:$0x4] =	wrdreg $0x9  }
0xb1: {  	_ =	task.clear_ibuf [dreg:s7], $0x5FFFF;
	_ =	strace $0x90000046  }
0xb2: {  	s29 =	simm.s32 $0x9;
	_ =	strace $0x80000048  }
0xb3: {  	_ =	swait.ge [sflag:s29], $0x1  }
0xb4: {  	[sflag:s29] =	ssyncadd.s32 $0xFFFFFFFF  }
0xb5: {  	_ =	strace $0x90000048  }
0xb6: {  	_ =	sfence  }
0xb7: {  	s30 =	sld [smem:$0x0];
	_ =	sdelay $0x2  }
0xb8: {  	s31 =	sshll.u32 s1, $0xD;
	s1 =	sshrl.u32 s1, $0x2  }
0xb9: {  	s3 =	sand.u32 $0x4000, s31;
	s1 =	sadd.s32 s1, s30  }
0xba: {  	s0 =	sor.u32 s3, s0;
	s1 =	sshll.u32 s1, $0x11  }
0xbb: {  	s0 =	sor.u32 s1, s0  }
0xbc: {  	s0 =	sadd.s32 $0x8F2B, s0  }
0xbd: {  	[sflag:s0] =	ssyncadd.remote.s32 $0x1  }
0xbe: {  	_ =	sfence.sel $0xFFFF  }
0xbf: {  	[dreg:$0x0] =	wrdreg $0xFFFFFFFF;
	(pc) =	sbr.abs _section_cstart, $3  }
0xc0: {  	[dreg:$0x1] =	wrdreg $0xFFFFFFFF  }
0xc1: {  	_ =	task.clear_ibuf [dreg:s7], $0x2FFFF;
	_ =	strace $0x9FFFFFFF  }
0xc2: {  	(tm) =	ssettm $0x7FFFFFFF  }
0xc3: {  	_ =	shalt  }
tec
execute0_lowered:
.L_overlay_start_1:
0x0: {  	(tag) =	ssettag $0x1  }
0x1: {  	s0 =	rddreg [dreg:$0x0]  }
0x2: {  	s2 =	rddreg [dreg:$0x1]  }
0x3: {  	s1 =	simm.s32 $0x0;
	s3 =	srdreg.scid;
	s4 =	stileid.u32  }
0x4: {  	s31 =	simm.s32 $0x80;
	s24 =	simm.s32 $0x100;
	[smem:$0x7FF] =	sst s1  }
0x5: {  	s5 =	sadd.s32 $0x81800, s0;
	s6 =	sand.u32 $0x1, s3;
	s10 =	sadd.s32 $0x1800, s0  }
0x6: {  	s7 =	sshll.u32 s4, $0x8;
	s3 =	sadd.s32 $0x81A00, s0;
	s4 =	sadd.s32 $0x201A00, s0  }
0x7: {  	_ =	strace $0x80000047;
	s8 =	sshll.u32 s6, $0x7;
	s6 =	ssub.s32 $0x2, s6  }
0x8: {  	[dreg:$0x9] =	wrdreg s31;
	s7 =	sor.u32 s8, s7;
	s11 =	sshrl.u32 s6, $0x1  }
0x9: {  	s8 =	sshrl.u32 s7, $0x3;
	s9 =	sor.u32 $0x40, s7;
	s26 =	sshll.u32 s7, $0x7  }
0xa: {  	s11 =	ssub.s32 s6, s11;
	s6 =	sadd.s32 $0x81C00, s0;
	s7 =	sadd.s32 $0x81D00, s0  }
0xb: {  	s8 =	sadd.s32 s5, s8;
	s12 =	sshrl.u32 s9, $0x3;
	s28 =	sadd.s32 s2, s26  }
0xc: {  	s29 =	sshll.u32 s9, $0x7;
	s9 =	sadd.s32 $0x201C00, s0;
	[dreg:$0x3] =	wrdreg s8  }
0xd: {  	s11 =	smax.u32 s11, $0x1;
	s5 =	sadd.s32 s5, s12;
	[dreg:$0x5] =	wrdreg s28  }
0xe: {  	s8 =	sadd.s32 s10, s26;
	s2 =	sadd.s32 s2, s29;
	[dreg:$0x4] =	wrdreg s5  }
0xf: {  	v2 =	vlaneseq.u32;
	s30 =	sadd.s32 s10, s29;
	s10 =	sadd.s32 $0x201D00, s0;
	[dreg:$0x6] =	wrdreg s8  }
0x10: {  	vm0 =	vmmov $0xffff;
	v1 =	vshrl.u32 v2, $0x3;
	s12 =	simm.s32 $0x2;
	s26 =	simm.s32 $0x1;
	[dreg:$0x7] =	wrdreg s2  }
0x11: {  	v0 =	vand.u32 $0x7, v2;
	v2 =	vor.u32 $0x8, v2;
	v1 =	vmul.u32 $0x8, v1;
	s5 =	sadd.s32 $0x81B00, s0;
	s8 =	sadd.s32 $0x201B00, s0;
	[dreg:$0x8] =	wrdreg s30  }
.LBB2_1:
0x12: {  	s28 =	rddreg [dreg:$0x3]  }
0x13: {  	[tilespmem:s1], [sflag:$0x2] =	stream.linear.gather [hbm4b:s28+s1], $0x40, $0x38;
	[tilespmem:$0x10100] =	vst v63  }
0x14: {  	_ =	swait.ge [sflag:s12], $0x40  }
0x15: {  	s0 =	rddreg [dreg:$0x4];
	[sflag:s12] =	ssyncset.done $0x0  }
0x16: {  	s29 =	rddreg [dreg:$0x9];
	[sflag:s12] =	ssyncadd.s32 $0xFFFFFFC0  }
0x17: {  	[tilespmem:s29], [sflag:$0x2] =	stream.linear.gather [hbm4b:s0+s1], $0x40, $0x38;
	[tilespmem:$0x10100] =	vst v63  }
0x18: {  	_ =	swait.ge [sflag:s12], $0x40  }
0x19: {  	[sflag:s12] =	ssyncset.done $0x0  }
0x1a: {  	s2 =	rddreg [dreg:$0x5];
	[sflag:s12] =	ssyncadd.s32 $0xFFFFFFC0  }
0x1b: {  	[tilespmem:s24], [sflag:$0x2] =	stream.linear.gather [hbm4b:s2+s1], $0x10000, $0x38;
	[tilespmem:$0x10100] =	vst v63  }
0x1c: {  	_ =	swait.ge [sflag:s12], $0x10000  }
0x1d: {  	[sflag:s12] =	ssyncset.done $0x0  }
0x1e: {  	[sflag:s12] =	ssyncadd.s32 $0xFFFF0000  }
0x1f: {  	v3 =	vld [tilespmem:$0x0];
	_ =	sdelay $0x4  }
0x20: {  	v4 =	vshll.u32 v3, $0x3  }
0x21: {  	v3 =	vand.u32 $0x7, v3;
	v4 =	vand.u32 $0xFFFFFFC0, v4  }
0x22: {  	v3 =	vor.u32 v3, v4  }
0x23: {  	v4 =	vperm.xlane v3, v0;
	_ =	sdelay $0x1  }
0x24: {  	v4 =	vadd.s32 v1, v4;
	_ =	sdelay $0x4  }
0x25: {  	[hbm4b:s3+s1] =	stream.indirect_vreg.scatter [tilespmem:s24], [sflag:$0x1], $0x80, v4, vm0, $0xb8;
	[tilespmem:$0x10100] =	vst v63  }
0x26: {  	s0 =	simm.s32 $0x900;
	v3 =	vperm.xlane v3, v2  }
0x27: {  	[hbm4b:s5+s1] =	stream.indirect_vreg.scatter [tilespmem:s0], [sflag:$0x1], $0x80, v4, vm0, $0xb8;
	[tilespmem:$0x10100] =	vst v63  }
0x28: {  	s13 =	simm.s32 $0x1100;
	v3 =	vadd.s32 v1, v3  }
0x29: {  	[hbm4b:s6+s1] =	stream.indirect_vreg.scatter [tilespmem:s13], [sflag:$0x1], $0x80, v4, vm0, $0xb8;
	[tilespmem:$0x10100] =	vst v63  }
0x2a: {  	s14 =	simm.s32 $0x1900  }
0x2b: {  	[hbm4b:s7+s1] =	stream.indirect_vreg.scatter [tilespmem:s14], [sflag:$0x1], $0x80, v4, vm0, $0xb8;
	[tilespmem:$0x10100] =	vst v63  }
0x2c: {  	s15 =	simm.s32 $0x2100  }
0x2d: {  	[hbm4b:s3+s1] =	stream.indirect_vreg.scatter [tilespmem:s15], [sflag:$0x1], $0x80, v3, vm0, $0xb8;
	[tilespmem:$0x10100] =	vst v63  }
0x2e: {  	s16 =	simm.s32 $0x2900  }
0x2f: {  	[hbm4b:s5+s1] =	stream.indirect_vreg.scatter [tilespmem:s16], [sflag:$0x1], $0x80, v3, vm0, $0xb8;
	[tilespmem:$0x10100] =	vst v63  }
0x30: {  	s18 =	simm.s32 $0x3100  }
0x31: {  	[hbm4b:s6+s1] =	stream.indirect_vreg.scatter [tilespmem:s18], [sflag:$0x1], $0x80, v3, vm0, $0xb8;
	[tilespmem:$0x10100] =	vst v63  }
0x32: {  	s19 =	simm.s32 $0x3900  }
0x33: {  	[hbm4b:s7+s1] =	stream.indirect_vreg.scatter [tilespmem:s19], [sflag:$0x1], $0x80, v3, vm0, $0xb8;
	[tilespmem:$0x10100] =	vst v63  }
0x34: {  	v3 =	vld [tilespmem:$0x10];
	_ =	sdelay $0x4  }
0x35: {  	v49 =	vshll.u32 v3, $0x3  }
0x36: {  	v3 =	vand.u32 $0x7, v3;
	v4 =	vand.u32 $0xFFFFFFC0, v49  }
0x37: {  	v3 =	vor.u32 v3, v4  }
0x38: {  	v4 =	vperm.xlane v3, v0;
	_ =	sdelay $0x1  }
0x39: {  	v4 =	vadd.s32 v1, v4;
	_ =	sdelay $0x3  }
0x3a: {  	s20 =	simm.s32 $0x4100  }
0x3b: {  	[hbm4b:s3+s1] =	stream.indirect_vreg.scatter [tilespmem:s20], [sflag:$0x1], $0x80, v4, vm0, $0xb8;
	[tilespmem:$0x10100] =	vst v63  }
0x3c: {  	s21 =	simm.s32 $0x4900;
	v3 =	vperm.xlane v3, v2  }
0x3d: {  	[hbm4b:s5+s1] =	stream.indirect_vreg.scatter [tilespmem:s21], [sflag:$0x1], $0x80, v4, vm0, $0xb8;
	[tilespmem:$0x10100] =	vst v63  }
0x3e: {  	s22 =	simm.s32 $0x5100;
	v3 =	vadd.s32 v1, v3  }
0x3f: {  	[hbm4b:s6+s1] =	stream.indirect_vreg.scatter [tilespmem:s22], [sflag:$0x1], $0x80, v4, vm0, $0xb8;
	[tilespmem:$0x10100] =	vst v63  }
0x40: {  	s23 =	simm.s32 $0x5900  }
0x41: {  	[hbm4b:s7+s1] =	stream.indirect_vreg.scatter [tilespmem:s23], [sflag:$0x1], $0x80, v4, vm0, $0xb8;
	[tilespmem:$0x10100] =	vst v63  }
0x42: {  	s25 =	simm.s32 $0x6100  }
0x43: {  	[hbm4b:s3+s1] =	stream.indirect_vreg.scatter [tilespmem:s25], [sflag:$0x1], $0x80, v3, vm0, $0xb8;
	[tilespmem:$0x10100] =	vst v63  }
0x44: {  	s28 =	simm.s32 $0x6900  }
0x45: {  	[hbm4b:s5+s1] =	stream.indirect_vreg.scatter [tilespmem:s28], [sflag:$0x1], $0x80, v3, vm0, $0xb8;
	[tilespmem:$0x10100] =	vst v63  }
0x46: {  	s29 =	simm.s32 $0x7100  }
0x47: {  	[hbm4b:s6+s1] =	stream.indirect_vreg.scatter [tilespmem:s29], [sflag:$0x1], $0x80, v3, vm0, $0xb8;
	[tilespmem:$0x10100] =	vst v63  }
0x48: {  	s30 =	simm.s32 $0x7900  }
0x49: {  	[hbm4b:s7+s1] =	stream.indirect_vreg.scatter [tilespmem:s30], [sflag:$0x1], $0x80, v3, vm0, $0xb8;
	[tilespmem:$0x10100] =	vst v63  }
0x4a: {  	v3 =	vld [tilespmem:$0x20];
	_ =	sdelay $0x4  }
0x4b: {  	v50 =	vshll.u32 v3, $0x3  }
0x4c: {  	v3 =	vand.u32 $0x7, v3;
	v4 =	vand.u32 $0xFFFFFFC0, v50  }
0x4d: {  	v3 =	vor.u32 v3, v4  }
0x4e: {  	v4 =	vperm.xlane v3, v0;
	_ =	sdelay $0x1  }
0x4f: {  	v4 =	vadd.s32 v1, v4;
	_ =	sdelay $0x3  }
0x50: {  	s31 =	simm.s32 $0x8100  }
0x51: {  	[hbm4b:s3+s1] =	stream.indirect_vreg.scatter [tilespmem:s31], [sflag:$0x1], $0x80, v4, vm0, $0xb8;
	[tilespmem:$0x10100] =	vst v63  }
0x52: {  	s18 =	simm.s32 $0x8900;
	v3 =	vperm.xlane v3, v2  }
0x53: {  	[hbm4b:s5+s1] =	stream.indirect_vreg.scatter [tilespmem:s18], [sflag:$0x1], $0x80, v4, vm0, $0xb8;
	[tilespmem:$0x10100] =	vst v63  }
0x54: {  	s19 =	simm.s32 $0x9100;
	v3 =	vadd.s32 v1, v3  }
0x55: {  	[hbm4b:s6+s1] =	stream.indirect_vreg.scatter [tilespmem:s19], [sflag:$0x1], $0x80, v4, vm0, $0xb8;
	[tilespmem:$0x10100] =	vst v63  }
0x56: {  	s20 =	simm.s32 $0x9900  }
0x57: {  	[hbm4b:s7+s1] =	stream.indirect_vreg.scatter [tilespmem:s20], [sflag:$0x1], $0x80, v4, vm0, $0xb8;
	[tilespmem:$0x10100] =	vst v63  }
0x58: {  	s21 =	simm.s32 $0xA100  }
0x59: {  	[hbm4b:s3+s1] =	stream.indirect_vreg.scatter [tilespmem:s21], [sflag:$0x1], $0x80, v3, vm0, $0xb8;
	[tilespmem:$0x10100] =	vst v63  }
0x5a: {  	s22 =	simm.s32 $0xA900  }
0x5b: {  	[hbm4b:s5+s1] =	stream.indirect_vreg.scatter [tilespmem:s22], [sflag:$0x1], $0x80, v3, vm0, $0xb8;
	[tilespmem:$0x10100] =	vst v63  }
0x5c: {  	s23 =	simm.s32 $0xB100  }
0x5d: {  	[hbm4b:s6+s1] =	stream.indirect_vreg.scatter [tilespmem:s23], [sflag:$0x1], $0x80, v3, vm0, $0xb8;
	[tilespmem:$0x10100] =	vst v63  }
0x5e: {  	s25 =	simm.s32 $0xB900  }
0x5f: {  	[hbm4b:s7+s1] =	stream.indirect_vreg.scatter [tilespmem:s25], [sflag:$0x1], $0x80, v3, vm0, $0xb8;
	[tilespmem:$0x10100] =	vst v63  }
0x60: {  	v3 =	vld [tilespmem:$0x30];
	_ =	sdelay $0x4  }
0x61: {  	v51 =	vshll.u32 v3, $0x3  }
0x62: {  	v3 =	vand.u32 $0x7, v3;
	v4 =	vand.u32 $0xFFFFFFC0, v51  }
0x63: {  	v3 =	vor.u32 v3, v4  }
0x64: {  	v4 =	vperm.xlane v3, v0;
	_ =	sdelay $0x1  }
0x65: {  	v4 =	vadd.s32 v1, v4;
	_ =	sdelay $0x3  }
0x66: {  	s0 =	simm.s32 $0xC100  }
0x67: {  	[hbm4b:s3+s1] =	stream.indirect_vreg.scatter [tilespmem:s0], [sflag:$0x1], $0x80, v4, vm0, $0xb8;
	[tilespmem:$0x10100] =	vst v63  }
0x68: {  	s18 =	simm.s32 $0xC900;
	v3 =	vperm.xlane v3, v2  }
0x69: {  	[hbm4b:s5+s1] =	stream.indirect_vreg.scatter [tilespmem:s18], [sflag:$0x1], $0x80, v4, vm0, $0xb8;
	[tilespmem:$0x10100] =	vst v63  }
0x6a: {  	s19 =	simm.s32 $0xD100;
	v3 =	vadd.s32 v1, v3  }
0x6b: {  	[hbm4b:s6+s1] =	stream.indirect_vreg.scatter [tilespmem:s19], [sflag:$0x1], $0x80, v4, vm0, $0xb8;
	[tilespmem:$0x10100] =	vst v63  }
0x6c: {  	s20 =	simm.s32 $0xD900  }
0x6d: {  	[hbm4b:s7+s1] =	stream.indirect_vreg.scatter [tilespmem:s20], [sflag:$0x1], $0x80, v4, vm0, $0xb8;
	[tilespmem:$0x10100] =	vst v63  }
0x6e: {  	s22 =	simm.s32 $0xE100  }
0x6f: {  	[hbm4b:s3+s1] =	stream.indirect_vreg.scatter [tilespmem:s22], [sflag:$0x1], $0x80, v3, vm0, $0xb8;
	[tilespmem:$0x10100] =	vst v63  }
0x70: {  	s0 =	simm.s32 $0xE900  }
0x71: {  	[hbm4b:s5+s1] =	stream.indirect_vreg.scatter [tilespmem:s0], [sflag:$0x1], $0x80, v3, vm0, $0xb8;
	[tilespmem:$0x10100] =	vst v63  }
0x72: {  	s18 =	simm.s32 $0xF100  }
0x73: {  	[hbm4b:s6+s1] =	stream.indirect_vreg.scatter [tilespmem:s18], [sflag:$0x1], $0x80, v3, vm0, $0xb8;
	[tilespmem:$0x10100] =	vst v63  }
0x74: {  	s19 =	simm.s32 $0xF900  }
0x75: {  	[hbm4b:s7+s1] =	stream.indirect_vreg.scatter [tilespmem:s19], [sflag:$0x1], $0x80, v3, vm0, $0xb8;
	[tilespmem:$0x10100] =	vst v63  }
0x76: {  	_ =	swait.ge [sflag:s26], $0x10000  }
0x77: {  	[sflag:s26] =	ssyncset.done $0x0  }
0x78: {  	s20 =	rddreg [dreg:$0x6];
	[sflag:s26] =	ssyncadd.s32 $0xFFFF0000  }
0x79: {  	[tilespmem:s24], [sflag:$0x2] =	stream.linear.gather [hbm4b:s20+s1], $0x10000, $0x38;
	[tilespmem:$0x10100] =	vst v63  }
0x7a: {  	_ =	swait.ge [sflag:s12], $0x10000  }
0x7b: {  	[sflag:s12] =	ssyncset.done $0x0  }
0x7c: {  	[sflag:s12] =	ssyncadd.s32 $0xFFFF0000  }
0x7d: {  	v3 =	vld [tilespmem:$0x0];
	_ =	sdelay $0x4  }
0x7e: {  	v52 =	vshll.u32 v3, $0x3  }
0x7f: {  	v3 =	vand.u32 $0x7, v3;
	v4 =	vand.u32 $0xFFFFFFC0, v52  }
0x80: {  	v3 =	vor.u32 v3, v4  }
0x81: {  	v4 =	vperm.xlane v3, v0;
	_ =	sdelay $0x1  }
0x82: {  	v4 =	vadd.s32 v1, v4;
	_ =	sdelay $0x4  }
0x83: {  	[hbm4b:s4+s1] =	stream.indirect_vreg.scatter [tilespmem:s24], [sflag:$0x1], $0x80, v4, vm0, $0xb8;
	[tilespmem:$0x10100] =	vst v63  }
0x84: {  	s17 =	simm.s32 $0x900;
	v3 =	vperm.xlane v3, v2  }
0x85: {  	[hbm4b:s8+s1] =	stream.indirect_vreg.scatter [tilespmem:s17], [sflag:$0x1], $0x80, v4, vm0, $0xb8;
	[tilespmem:$0x10100] =	vst v63  }
0x86: {  	s2 =	simm.s32 $0x1100;
	v3 =	vadd.s32 v1, v3  }
0x87: {  	[hbm4b:s9+s1] =	stream.indirect_vreg.scatter [tilespmem:s2], [sflag:$0x1], $0x80, v4, vm0, $0xb8;
	[tilespmem:$0x10100] =	vst v63  }
0x88: {  	s13 =	simm.s32 $0x1900  }
0x89: {  	[hbm4b:s10+s1] =	stream.indirect_vreg.scatter [tilespmem:s13], [sflag:$0x1], $0x80, v4, vm0, $0xb8;
	[tilespmem:$0x10100] =	vst v63  }
0x8a: {  	s0 =	simm.s32 $0x2100  }
0x8b: {  	[hbm4b:s4+s1] =	stream.indirect_vreg.scatter [tilespmem:s0], [sflag:$0x1], $0x80, v3, vm0, $0xb8;
	[tilespmem:$0x10100] =	vst v63  }
0x8c: {  	s2 =	simm.s32 $0x2900  }
0x8d: {  	[hbm4b:s8+s1] =	stream.indirect_vreg.scatter [tilespmem:s2], [sflag:$0x1], $0x80, v3, vm0, $0xb8;
	[tilespmem:$0x10100] =	vst v63  }
0x8e: {  	s13 =	simm.s32 $0x3100  }
0x8f: {  	[hbm4b:s9+s1] =	stream.indirect_vreg.scatter [tilespmem:s13], [sflag:$0x1], $0x80, v3, vm0, $0xb8;
	[tilespmem:$0x10100] =	vst v63  }
0x90: {  	s14 =	simm.s32 $0x3900  }
0x91: {  	[hbm4b:s10+s1] =	stream.indirect_vreg.scatter [tilespmem:s14], [sflag:$0x1], $0x80, v3, vm0, $0xb8;
	[tilespmem:$0x10100] =	vst v63  }
0x92: {  	v3 =	vld [tilespmem:$0x10];
	_ =	sdelay $0x4  }
0x93: {  	v53 =	vshll.u32 v3, $0x3  }
0x94: {  	v3 =	vand.u32 $0x7, v3;
	v4 =	vand.u32 $0xFFFFFFC0, v53  }
0x95: {  	v3 =	vor.u32 v3, v4  }
0x96: {  	v4 =	vperm.xlane v3, v0;
	_ =	sdelay $0x1  }
0x97: {  	v4 =	vadd.s32 v1, v4;
	_ =	sdelay $0x3  }
0x98: {  	s15 =	simm.s32 $0x4100  }
0x99: {  	[hbm4b:s4+s1] =	stream.indirect_vreg.scatter [tilespmem:s15], [sflag:$0x1], $0x80, v4, vm0, $0xb8;
	[tilespmem:$0x10100] =	vst v63  }
0x9a: {  	s16 =	simm.s32 $0x4900;
	v3 =	vperm.xlane v3, v2  }
0x9b: {  	[hbm4b:s8+s1] =	stream.indirect_vreg.scatter [tilespmem:s16], [sflag:$0x1], $0x80, v4, vm0, $0xb8;
	[tilespmem:$0x10100] =	vst v63  }
0x9c: {  	s14 =	simm.s32 $0x5100;
	v3 =	vadd.s32 v1, v3  }
0x9d: {  	[hbm4b:s9+s1] =	stream.indirect_vreg.scatter [tilespmem:s14], [sflag:$0x1], $0x80, v4, vm0, $0xb8;
	[tilespmem:$0x10100] =	vst v63  }
0x9e: {  	s15 =	simm.s32 $0x5900  }
0x9f: {  	[hbm4b:s10+s1] =	stream.indirect_vreg.scatter [tilespmem:s15], [sflag:$0x1], $0x80, v4, vm0, $0xb8;
	[tilespmem:$0x10100] =	vst v63  }
0xa0: {  	s16 =	simm.s32 $0x6100  }
0xa1: {  	[hbm4b:s4+s1] =	stream.indirect_vreg.scatter [tilespmem:s16], [sflag:$0x1], $0x80, v3, vm0, $0xb8;
	[tilespmem:$0x10100] =	vst v63  }
0xa2: {  	s17 =	simm.s32 $0x6900  }
0xa3: {  	[hbm4b:s8+s1] =	stream.indirect_vreg.scatter [tilespmem:s17], [sflag:$0x1], $0x80, v3, vm0, $0xb8;
	[tilespmem:$0x10100] =	vst v63  }
0xa4: {  	s18 =	simm.s32 $0x7100  }
0xa5: {  	[hbm4b:s9+s1] =	stream.indirect_vreg.scatter [tilespmem:s18], [sflag:$0x1], $0x80, v3, vm0, $0xb8;
	[tilespmem:$0x10100] =	vst v63  }
0xa6: {  	s19 =	simm.s32 $0x7900  }
0xa7: {  	[hbm4b:s10+s1] =	stream.indirect_vreg.scatter [tilespmem:s19], [sflag:$0x1], $0x80, v3, vm0, $0xb8;
	[tilespmem:$0x10100] =	vst v63  }
0xa8: {  	v3 =	vld [tilespmem:$0x20];
	_ =	sdelay $0x4  }
0xa9: {  	v54 =	vshll.u32 v3, $0x3  }
0xaa: {  	v3 =	vand.u32 $0x7, v3;
	v4 =	vand.u32 $0xFFFFFFC0, v54  }
0xab: {  	v3 =	vor.u32 v3, v4  }
0xac: {  	v4 =	vperm.xlane v3, v0;
	_ =	sdelay $0x1  }
0xad: {  	v4 =	vadd.s32 v1, v4;
	_ =	sdelay $0x3  }
0xae: {  	s20 =	simm.s32 $0x8100  }
0xaf: {  	[hbm4b:s4+s1] =	stream.indirect_vreg.scatter [tilespmem:s20], [sflag:$0x1], $0x80, v4, vm0, $0xb8;
	[tilespmem:$0x10100] =	vst v63  }
0xb0: {  	s29 =	simm.s32 $0x8900;
	v3 =	vperm.xlane v3, v2  }
0xb1: {  	[hbm4b:s8+s1] =	stream.indirect_vreg.scatter [tilespmem:s29], [sflag:$0x1], $0x80, v4, vm0, $0xb8;
	[tilespmem:$0x10100] =	vst v63  }
0xb2: {  	s30 =	simm.s32 $0x9100;
	v3 =	vadd.s32 v1, v3  }
0xb3: {  	[hbm4b:s9+s1] =	stream.indirect_vreg.scatter [tilespmem:s30], [sflag:$0x1], $0x80, v4, vm0, $0xb8;
	[tilespmem:$0x10100] =	vst v63  }
0xb4: {  	s31 =	simm.s32 $0x9900  }
0xb5: {  	[hbm4b:s10+s1] =	stream.indirect_vreg.scatter [tilespmem:s31], [sflag:$0x1], $0x80, v4, vm0, $0xb8;
	[tilespmem:$0x10100] =	vst v63  }
0xb6: {  	s31 =	simm.s32 $0xA100  }
0xb7: {  	[hbm4b:s4+s1] =	stream.indirect_vreg.scatter [tilespmem:s31], [sflag:$0x1], $0x80, v3, vm0, $0xb8;
	[tilespmem:$0x10100] =	vst v63  }
0xb8: {  	s28 =	simm.s32 $0xA900  }
0xb9: {  	[hbm4b:s8+s1] =	stream.indirect_vreg.scatter [tilespmem:s28], [sflag:$0x1], $0x80, v3, vm0, $0xb8;
	[tilespmem:$0x10100] =	vst v63  }
0xba: {  	s28 =	simm.s32 $0xB100  }
0xbb: {  	[hbm4b:s9+s1] =	stream.indirect_vreg.scatter [tilespmem:s28], [sflag:$0x1], $0x80, v3, vm0, $0xb8;
	[tilespmem:$0x10100] =	vst v63  }
0xbc: {  	s23 =	simm.s32 $0xB900  }
0xbd: {  	[hbm4b:s10+s1] =	stream.indirect_vreg.scatter [tilespmem:s23], [sflag:$0x1], $0x80, v3, vm0, $0xb8;
	[tilespmem:$0x10100] =	vst v63  }
0xbe: {  	v3 =	vld [tilespmem:$0x30];
	_ =	sdelay $0x4  }
0xbf: {  	v55 =	vshll.u32 v3, $0x3  }
0xc0: {  	v3 =	vand.u32 $0x7, v3;
	v4 =	vand.u32 $0xFFFFFFC0, v55  }
0xc1: {  	v3 =	vor.u32 v3, v4  }
0xc2: {  	v4 =	vperm.xlane v3, v0;
	_ =	sdelay $0x1  }
0xc3: {  	v4 =	vadd.s32 v1, v4;
	_ =	sdelay $0x3  }
0xc4: {  	s25 =	simm.s32 $0xC100  }
0xc5: {  	[hbm4b:s4+s1] =	stream.indirect_vreg.scatter [tilespmem:s25], [sflag:$0x1], $0x80, v4, vm0, $0xb8;
	[tilespmem:$0x10100] =	vst v63  }
0xc6: {  	s21 =	simm.s32 $0xC900;
	v3 =	vperm.xlane v3, v2  }
0xc7: {  	[hbm4b:s8+s1] =	stream.indirect_vreg.scatter [tilespmem:s21], [sflag:$0x1], $0x80, v4, vm0, $0xb8;
	[tilespmem:$0x10100] =	vst v63  }
0xc8: {  	s23 =	simm.s32 $0xD100;
	v3 =	vadd.s32 v1, v3  }
0xc9: {  	[hbm4b:s9+s1] =	stream.indirect_vreg.scatter [tilespmem:s23], [sflag:$0x1], $0x80, v4, vm0, $0xb8;
	[tilespmem:$0x10100] =	vst v63  }
0xca: {  	s25 =	simm.s32 $0xD900  }
0xcb: {  	[hbm4b:s10+s1] =	stream.indirect_vreg.scatter [tilespmem:s25], [sflag:$0x1], $0x80, v4, vm0, $0xb8;
	[tilespmem:$0x10100] =	vst v63  }
0xcc: {  	s28 =	simm.s32 $0xE100  }
0xcd: {  	[hbm4b:s4+s1] =	stream.indirect_vreg.scatter [tilespmem:s28], [sflag:$0x1], $0x80, v3, vm0, $0xb8;
	[tilespmem:$0x10100] =	vst v63  }
0xce: {  	s25 =	simm.s32 $0xE900  }
0xcf: {  	[hbm4b:s8+s1] =	stream.indirect_vreg.scatter [tilespmem:s25], [sflag:$0x1], $0x80, v3, vm0, $0xb8;
	[tilespmem:$0x10100] =	vst v63  }
0xd0: {  	s28 =	simm.s32 $0xF100  }
0xd1: {  	[hbm4b:s9+s1] =	stream.indirect_vreg.scatter [tilespmem:s28], [sflag:$0x1], $0x80, v3, vm0, $0xb8;
	[tilespmem:$0x10100] =	vst v63  }
0xd2: {  	s22 =	simm.s32 $0xF900  }
0xd3: {  	[hbm4b:s10+s1] =	stream.indirect_vreg.scatter [tilespmem:s22], [sflag:$0x1], $0x80, v3, vm0, $0xb8;
	[tilespmem:$0x10100] =	vst v63  }
0xd4: {  	_ =	swait.ge [sflag:s26], $0x10000  }
0xd5: {  	[sflag:s26] =	ssyncset.done $0x0  }
0xd6: {  	s22 =	rddreg [dreg:$0x7];
	[sflag:s26] =	ssyncadd.s32 $0xFFFF0000  }
0xd7: {  	[tilespmem:s24], [sflag:$0x2] =	stream.linear.gather [hbm4b:s22+s1], $0x10000, $0x38;
	[tilespmem:$0x10100] =	vst v63  }
0xd8: {  	_ =	swait.ge [sflag:s12], $0x10000  }
0xd9: {  	[sflag:s12] =	ssyncset.done $0x0  }
0xda: {  	[sflag:s12] =	ssyncadd.s32 $0xFFFF0000  }
0xdb: {  	v3 =	vld [tilespmem:$0x80];
	_ =	sdelay $0x4  }
0xdc: {  	v56 =	vshll.u32 v3, $0x3  }
0xdd: {  	v3 =	vand.u32 $0x7, v3;
	v4 =	vand.u32 $0xFFFFFFC0, v56  }
0xde: {  	v3 =	vor.u32 v3, v4  }
0xdf: {  	v4 =	vperm.xlane v3, v0;
	_ =	sdelay $0x1  }
0xe0: {  	v4 =	vadd.s32 v1, v4;
	_ =	sdelay $0x4  }
0xe1: {  	[hbm4b:s3+s1] =	stream.indirect_vreg.scatter [tilespmem:s24], [sflag:$0x1], $0x80, v4, vm0, $0xb8;
	[tilespmem:$0x10100] =	vst v63  }
0xe2: {  	s25 =	simm.s32 $0x900;
	v3 =	vperm.xlane v3, v2  }
0xe3: {  	[hbm4b:s5+s1] =	stream.indirect_vreg.scatter [tilespmem:s25], [sflag:$0x1], $0x80, v4, vm0, $0xb8;
	[tilespmem:$0x10100] =	vst v63  }
0xe4: {  	s28 =	simm.s32 $0x1100;
	v3 =	vadd.s32 v1, v3  }
0xe5: {  	[hbm4b:s6+s1] =	stream.indirect_vreg.scatter [tilespmem:s28], [sflag:$0x1], $0x80, v4, vm0, $0xb8;
	[tilespmem:$0x10100] =	vst v63  }
0xe6: {  	s21 =	simm.s32 $0x1900  }
0xe7: {  	[hbm4b:s7+s1] =	stream.indirect_vreg.scatter [tilespmem:s21], [sflag:$0x1], $0x80, v4, vm0, $0xb8;
	[tilespmem:$0x10100] =	vst v63  }
0xe8: {  	_ = 	snop  }
0xe9: {  	[hbm4b:s3+s1] =	stream.indirect_vreg.scatter [tilespmem:s0], [sflag:$0x1], $0x80, v3, vm0, $0xb8;
	[tilespmem:$0x10100] =	vst v63  }
0xea: {  	_ = 	snop  }
0xeb: {  	[hbm4b:s5+s1] =	stream.indirect_vreg.scatter [tilespmem:s2], [sflag:$0x1], $0x80, v3, vm0, $0xb8;
	[tilespmem:$0x10100] =	vst v63  }
0xec: {  	_ = 	snop  }
0xed: {  	[hbm4b:s6+s1] =	stream.indirect_vreg.scatter [tilespmem:s13], [sflag:$0x1], $0x80, v3, vm0, $0xb8;
	[tilespmem:$0x10100] =	vst v63  }
0xee: {  	s25 =	simm.s32 $0x3900  }
0xef: {  	[hbm4b:s7+s1] =	stream.indirect_vreg.scatter [tilespmem:s25], [sflag:$0x1], $0x80, v3, vm0, $0xb8;
	[tilespmem:$0x10100] =	vst v63  }
0xf0: {  	v3 =	vld [tilespmem:$0x90];
	_ =	sdelay $0x4  }
0xf1: {  	v57 =	vshll.u32 v3, $0x3  }
0xf2: {  	v3 =	vand.u32 $0x7, v3;
	v4 =	vand.u32 $0xFFFFFFC0, v57  }
0xf3: {  	v3 =	vor.u32 v3, v4  }
0xf4: {  	v4 =	vperm.xlane v3, v0;
	_ =	sdelay $0x1  }
0xf5: {  	v4 =	vadd.s32 v1, v4;
	_ =	sdelay $0x3  }
0xf6: {  	s28 =	simm.s32 $0x4100  }
0xf7: {  	[hbm4b:s3+s1] =	stream.indirect_vreg.scatter [tilespmem:s28], [sflag:$0x1], $0x80, v4, vm0, $0xb8;
	[tilespmem:$0x10100] =	vst v63  }
0xf8: {  	s25 =	simm.s32 $0x4900;
	v3 =	vperm.xlane v3, v2  }
0xf9: {  	[hbm4b:s5+s1] =	stream.indirect_vreg.scatter [tilespmem:s25], [sflag:$0x1], $0x80, v4, vm0, $0xb8;
	[tilespmem:$0x10100] =	vst v63  }
0xfa: {  	v3 =	vadd.s32 v1, v3  }
0xfb: {  	[hbm4b:s6+s1] =	stream.indirect_vreg.scatter [tilespmem:s14], [sflag:$0x1], $0x80, v4, vm0, $0xb8;
	[tilespmem:$0x10100] =	vst v63  }
0xfc: {  	_ = 	snop  }
0xfd: {  	[hbm4b:s7+s1] =	stream.indirect_vreg.scatter [tilespmem:s15], [sflag:$0x1], $0x80, v4, vm0, $0xb8;
	[tilespmem:$0x10100] =	vst v63  }
0xfe: {  	_ = 	snop  }
0xff: {  	[hbm4b:s3+s1] =	stream.indirect_vreg.scatter [tilespmem:s16], [sflag:$0x1], $0x80, v3, vm0, $0xb8;
	[tilespmem:$0x10100] =	vst v63  }
0x100: {  	_ = 	snop  }
0x101: {  	[hbm4b:s5+s1] =	stream.indirect_vreg.scatter [tilespmem:s17], [sflag:$0x1], $0x80, v3, vm0, $0xb8;
	[tilespmem:$0x10100] =	vst v63  }
0x102: {  	_ = 	snop  }
0x103: {  	[hbm4b:s6+s1] =	stream.indirect_vreg.scatter [tilespmem:s18], [sflag:$0x1], $0x80, v3, vm0, $0xb8;
	[tilespmem:$0x10100] =	vst v63  }
0x104: {  	_ = 	snop  }
0x105: {  	[hbm4b:s7+s1] =	stream.indirect_vreg.scatter [tilespmem:s19], [sflag:$0x1], $0x80, v3, vm0, $0xb8;
	[tilespmem:$0x10100] =	vst v63  }
0x106: {  	v3 =	vld [tilespmem:$0xA0];
	_ =	sdelay $0x4  }
0x107: {  	v58 =	vshll.u32 v3, $0x3  }
0x108: {  	v3 =	vand.u32 $0x7, v3;
	v4 =	vand.u32 $0xFFFFFFC0, v58  }
0x109: {  	v3 =	vor.u32 v3, v4  }
0x10a: {  	v4 =	vperm.xlane v3, v0;
	_ =	sdelay $0x1  }
0x10b: {  	v4 =	vadd.s32 v1, v4;
	_ =	sdelay $0x4  }
0x10c: {  	[hbm4b:s3+s1] =	stream.indirect_vreg.scatter [tilespmem:s20], [sflag:$0x1], $0x80, v4, vm0, $0xb8;
	[tilespmem:$0x10100] =	vst v63  }
0x10d: {  	s28 =	simm.s32 $0x8900;
	v3 =	vperm.xlane v3, v2  }
0x10e: {  	[hbm4b:s5+s1] =	stream.indirect_vreg.scatter [tilespmem:s28], [sflag:$0x1], $0x80, v4, vm0, $0xb8;
	[tilespmem:$0x10100] =	vst v63  }
0x10f: {  	s29 =	simm.s32 $0x9100;
	v3 =	vadd.s32 v1, v3  }
0x110: {  	[hbm4b:s6+s1] =	stream.indirect_vreg.scatter [tilespmem:s29], [sflag:$0x1], $0x80, v4, vm0, $0xb8;
	[tilespmem:$0x10100] =	vst v63  }
0x111: {  	s30 =	simm.s32 $0x9900  }
0x112: {  	[hbm4b:s7+s1] =	stream.indirect_vreg.scatter [tilespmem:s30], [sflag:$0x1], $0x80, v4, vm0, $0xb8;
	[tilespmem:$0x10100] =	vst v63  }
0x113: {  	s31 =	simm.s32 $0xA100  }
0x114: {  	[hbm4b:s3+s1] =	stream.indirect_vreg.scatter [tilespmem:s31], [sflag:$0x1], $0x80, v3, vm0, $0xb8;
	[tilespmem:$0x10100] =	vst v63  }
0x115: {  	s21 =	simm.s32 $0xA900  }
0x116: {  	[hbm4b:s5+s1] =	stream.indirect_vreg.scatter [tilespmem:s21], [sflag:$0x1], $0x80, v3, vm0, $0xb8;
	[tilespmem:$0x10100] =	vst v63  }
0x117: {  	s28 =	simm.s32 $0xB100  }
0x118: {  	[hbm4b:s6+s1] =	stream.indirect_vreg.scatter [tilespmem:s28], [sflag:$0x1], $0x80, v3, vm0, $0xb8;
	[tilespmem:$0x10100] =	vst v63  }
0x119: {  	s28 =	simm.s32 $0xB900  }
0x11a: {  	[hbm4b:s7+s1] =	stream.indirect_vreg.scatter [tilespmem:s28], [sflag:$0x1], $0x80, v3, vm0, $0xb8;
	[tilespmem:$0x10100] =	vst v63  }
0x11b: {  	v3 =	vld [tilespmem:$0xB0];
	_ =	sdelay $0x4  }
0x11c: {  	v59 =	vshll.u32 v3, $0x3  }
0x11d: {  	v3 =	vand.u32 $0x7, v3;
	v4 =	vand.u32 $0xFFFFFFC0, v59  }
0x11e: {  	v3 =	vor.u32 v3, v4  }
0x11f: {  	v4 =	vperm.xlane v3, v0;
	_ =	sdelay $0x1  }
0x120: {  	v4 =	vadd.s32 v1, v4;
	_ =	sdelay $0x3  }
0x121: {  	s28 =	simm.s32 $0xC100  }
0x122: {  	[hbm4b:s3+s1] =	stream.indirect_vreg.scatter [tilespmem:s28], [sflag:$0x1], $0x80, v4, vm0, $0xb8;
	[tilespmem:$0x10100] =	vst v63  }
0x123: {  	v3 =	vperm.xlane v3, v2;
	s28 =	simm.s32 $0xC900  }
0x124: {  	[hbm4b:s5+s1] =	stream.indirect_vreg.scatter [tilespmem:s28], [sflag:$0x1], $0x80, v4, vm0, $0xb8;
	[tilespmem:$0x10100] =	vst v63  }
0x125: {  	s23 =	simm.s32 $0xD100;
	v3 =	vadd.s32 v1, v3  }
0x126: {  	[hbm4b:s6+s1] =	stream.indirect_vreg.scatter [tilespmem:s23], [sflag:$0x1], $0x80, v4, vm0, $0xb8;
	[tilespmem:$0x10100] =	vst v63  }
0x127: {  	s28 =	simm.s32 $0xD900  }
0x128: {  	[hbm4b:s7+s1] =	stream.indirect_vreg.scatter [tilespmem:s28], [sflag:$0x1], $0x80, v4, vm0, $0xb8;
	[tilespmem:$0x10100] =	vst v63  }
0x129: {  	s28 =	simm.s32 $0xE100  }
0x12a: {  	[hbm4b:s3+s1] =	stream.indirect_vreg.scatter [tilespmem:s28], [sflag:$0x1], $0x80, v3, vm0, $0xb8;
	[tilespmem:$0x10100] =	vst v63  }
0x12b: {  	s28 =	simm.s32 $0xE900  }
0x12c: {  	[hbm4b:s5+s1] =	stream.indirect_vreg.scatter [tilespmem:s28], [sflag:$0x1], $0x80, v3, vm0, $0xb8;
	[tilespmem:$0x10100] =	vst v63  }
0x12d: {  	s28 =	simm.s32 $0xF100  }
0x12e: {  	[hbm4b:s6+s1] =	stream.indirect_vreg.scatter [tilespmem:s28], [sflag:$0x1], $0x80, v3, vm0, $0xb8;
	[tilespmem:$0x10100] =	vst v63  }
0x12f: {  	s28 =	simm.s32 $0xF900  }
0x130: {  	[hbm4b:s7+s1] =	stream.indirect_vreg.scatter [tilespmem:s28], [sflag:$0x1], $0x80, v3, vm0, $0xb8;
	[tilespmem:$0x10100] =	vst v63  }
0x131: {  	_ =	swait.ge [sflag:s26], $0x10000  }
0x132: {  	[sflag:s26] =	ssyncset.done $0x0  }
0x133: {  	s28 =	rddreg [dreg:$0x8];
	[sflag:s26] =	ssyncadd.s32 $0xFFFF0000  }
0x134: {  	[tilespmem:s24], [sflag:$0x2] =	stream.linear.gather [hbm4b:s28+s1], $0x10000, $0x38;
	[tilespmem:$0x10100] =	vst v63  }
0x135: {  	_ =	swait.ge [sflag:s12], $0x10000  }
0x136: {  	[sflag:s12] =	ssyncset.done $0x0  }
0x137: {  	[sflag:s12] =	ssyncadd.s32 $0xFFFF0000  }
0x138: {  	v3 =	vld [tilespmem:$0x80];
	_ =	sdelay $0x4  }
0x139: {  	v60 =	vshll.u32 v3, $0x3  }
0x13a: {  	v3 =	vand.u32 $0x7, v3;
	v4 =	vand.u32 $0xFFFFFFC0, v60  }
0x13b: {  	v3 =	vor.u32 v3, v4  }
0x13c: {  	v4 =	vperm.xlane v3, v0;
	_ =	sdelay $0x1  }
0x13d: {  	v4 =	vadd.s32 v1, v4;
	_ =	sdelay $0x4  }
0x13e: {  	[hbm4b:s4+s1] =	stream.indirect_vreg.scatter [tilespmem:s24], [sflag:$0x1], $0x80, v4, vm0, $0xb8;
	[tilespmem:$0x10100] =	vst v63  }
0x13f: {  	s28 =	simm.s32 $0x900;
	v3 =	vperm.xlane v3, v2  }
0x140: {  	[hbm4b:s8+s1] =	stream.indirect_vreg.scatter [tilespmem:s28], [sflag:$0x1], $0x80, v4, vm0, $0xb8;
	[tilespmem:$0x10100] =	vst v63  }
0x141: {  	v3 =	vadd.s32 v1, v3;
	s28 =	simm.s32 $0x1100  }
0x142: {  	[hbm4b:s9+s1] =	stream.indirect_vreg.scatter [tilespmem:s28], [sflag:$0x1], $0x80, v4, vm0, $0xb8;
	[tilespmem:$0x10100] =	vst v63  }
0x143: {  	s22 =	simm.s32 $0x1900  }
0x144: {  	[hbm4b:s10+s1] =	stream.indirect_vreg.scatter [tilespmem:s22], [sflag:$0x1], $0x80, v4, vm0, $0xb8;
	[tilespmem:$0x10100] =	vst v63  }
0x145: {  	s0 =	simm.s32 $0x2100  }
0x146: {  	[hbm4b:s4+s1] =	stream.indirect_vreg.scatter [tilespmem:s0], [sflag:$0x1], $0x80, v3, vm0, $0xb8;
	[tilespmem:$0x10100] =	vst v63  }
0x147: {  	s2 =	simm.s32 $0x2900  }
0x148: {  	[hbm4b:s8+s1] =	stream.indirect_vreg.scatter [tilespmem:s2], [sflag:$0x1], $0x80, v3, vm0, $0xb8;
	[tilespmem:$0x10100] =	vst v63  }
0x149: {  	s13 =	simm.s32 $0x3100  }
0x14a: {  	[hbm4b:s9+s1] =	stream.indirect_vreg.scatter [tilespmem:s13], [sflag:$0x1], $0x80, v3, vm0, $0xb8;
	[tilespmem:$0x10100] =	vst v63  }
0x14b: {  	s28 =	simm.s32 $0x3900  }
0x14c: {  	[hbm4b:s10+s1] =	stream.indirect_vreg.scatter [tilespmem:s28], [sflag:$0x1], $0x80, v3, vm0, $0xb8;
	[tilespmem:$0x10100] =	vst v63  }
0x14d: {  	v3 =	vld [tilespmem:$0x90];
	_ =	sdelay $0x4  }
0x14e: {  	v61 =	vshll.u32 v3, $0x3  }
0x14f: {  	v3 =	vand.u32 $0x7, v3;
	v4 =	vand.u32 $0xFFFFFFC0, v61  }
0x150: {  	v3 =	vor.u32 v3, v4  }
0x151: {  	v4 =	vperm.xlane v3, v0;
	_ =	sdelay $0x1  }
0x152: {  	v4 =	vadd.s32 v1, v4;
	_ =	sdelay $0x3  }
0x153: {  	s2 =	simm.s32 $0x4100  }
0x154: {  	[hbm4b:s4+s1] =	stream.indirect_vreg.scatter [tilespmem:s2], [sflag:$0x1], $0x80, v4, vm0, $0xb8;
	[tilespmem:$0x10100] =	vst v63  }
0x155: {  	s13 =	simm.s32 $0x4900;
	v3 =	vperm.xlane v3, v2  }
0x156: {  	[hbm4b:s8+s1] =	stream.indirect_vreg.scatter [tilespmem:s13], [sflag:$0x1], $0x80, v4, vm0, $0xb8;
	[tilespmem:$0x10100] =	vst v63  }
0x157: {  	s14 =	simm.s32 $0x5100;
	v3 =	vadd.s32 v1, v3  }
0x158: {  	[hbm4b:s9+s1] =	stream.indirect_vreg.scatter [tilespmem:s14], [sflag:$0x1], $0x80, v4, vm0, $0xb8;
	[tilespmem:$0x10100] =	vst v63  }
0x159: {  	s15 =	simm.s32 $0x5900  }
0x15a: {  	[hbm4b:s10+s1] =	stream.indirect_vreg.scatter [tilespmem:s15], [sflag:$0x1], $0x80, v4, vm0, $0xb8;
	[tilespmem:$0x10100] =	vst v63  }
0x15b: {  	s16 =	simm.s32 $0x6100  }
0x15c: {  	[hbm4b:s4+s1] =	stream.indirect_vreg.scatter [tilespmem:s16], [sflag:$0x1], $0x80, v3, vm0, $0xb8;
	[tilespmem:$0x10100] =	vst v63  }
0x15d: {  	s17 =	simm.s32 $0x6900  }
0x15e: {  	[hbm4b:s8+s1] =	stream.indirect_vreg.scatter [tilespmem:s17], [sflag:$0x1], $0x80, v3, vm0, $0xb8;
	[tilespmem:$0x10100] =	vst v63  }
0x15f: {  	s18 =	simm.s32 $0x7100  }
0x160: {  	[hbm4b:s9+s1] =	stream.indirect_vreg.scatter [tilespmem:s18], [sflag:$0x1], $0x80, v3, vm0, $0xb8;
	[tilespmem:$0x10100] =	vst v63  }
0x161: {  	s19 =	simm.s32 $0x7900  }
0x162: {  	[hbm4b:s10+s1] =	stream.indirect_vreg.scatter [tilespmem:s19], [sflag:$0x1], $0x80, v3, vm0, $0xb8;
	[tilespmem:$0x10100] =	vst v63  }
0x163: {  	v3 =	vld [tilespmem:$0xA0];
	_ =	sdelay $0x4  }
0x164: {  	v62 =	vshll.u32 v3, $0x3  }
0x165: {  	v3 =	vand.u32 $0x7, v3;
	v4 =	vand.u32 $0xFFFFFFC0, v62  }
0x166: {  	v3 =	vor.u32 v3, v4  }
0x167: {  	v4 =	vperm.xlane v3, v0;
	_ =	sdelay $0x1  }
0x168: {  	v4 =	vadd.s32 v1, v4;
	_ =	sdelay $0x3  }
0x169: {  	s20 =	simm.s32 $0x8100  }
0x16a: {  	[hbm4b:s4+s1] =	stream.indirect_vreg.scatter [tilespmem:s20], [sflag:$0x1], $0x80, v4, vm0, $0xb8;
	[tilespmem:$0x10100] =	vst v63  }
0x16b: {  	s19 =	simm.s32 $0x8900;
	v3 =	vperm.xlane v3, v2  }
0x16c: {  	[hbm4b:s8+s1] =	stream.indirect_vreg.scatter [tilespmem:s19], [sflag:$0x1], $0x80, v4, vm0, $0xb8;
	[tilespmem:$0x10100] =	vst v63  }
0x16d: {  	s25 =	simm.s32 $0x9100;
	v3 =	vadd.s32 v1, v3  }
0x16e: {  	[hbm4b:s9+s1] =	stream.indirect_vreg.scatter [tilespmem:s25], [sflag:$0x1], $0x80, v4, vm0, $0xb8;
	[tilespmem:$0x10100] =	vst v63  }
0x16f: {  	s29 =	simm.s32 $0x9900  }
0x170: {  	[hbm4b:s10+s1] =	stream.indirect_vreg.scatter [tilespmem:s29], [sflag:$0x1], $0x80, v4, vm0, $0xb8;
	[tilespmem:$0x10100] =	vst v63  }
0x171: {  	s30 =	simm.s32 $0xA100  }
0x172: {  	[hbm4b:s4+s1] =	stream.indirect_vreg.scatter [tilespmem:s30], [sflag:$0x1], $0x80, v3, vm0, $0xb8;
	[tilespmem:$0x10100] =	vst v63  }
0x173: {  	s31 =	simm.s32 $0xA900  }
0x174: {  	[hbm4b:s8+s1] =	stream.indirect_vreg.scatter [tilespmem:s31], [sflag:$0x1], $0x80, v3, vm0, $0xb8;
	[tilespmem:$0x10100] =	vst v63  }
0x175: {  	s21 =	simm.s32 $0xB100  }
0x176: {  	[hbm4b:s9+s1] =	stream.indirect_vreg.scatter [tilespmem:s21], [sflag:$0x1], $0x80, v3, vm0, $0xb8;
	[tilespmem:$0x10100] =	vst v63  }
0x177: {  	s20 =	simm.s32 $0xB900  }
0x178: {  	[hbm4b:s10+s1] =	stream.indirect_vreg.scatter [tilespmem:s20], [sflag:$0x1], $0x80, v3, vm0, $0xb8;
	[tilespmem:$0x10100] =	vst v63  }
0x179: {  	v3 =	vld [tilespmem:$0xB0];
	_ =	sdelay $0x4  }
0x17a: {  	v63 =	vshll.u32 v3, $0x3  }
0x17b: {  	v3 =	vand.u32 $0x7, v3;
	v4 =	vand.u32 $0xFFFFFFC0, v63  }
0x17c: {  	v3 =	vor.u32 v3, v4  }
0x17d: {  	v4 =	vperm.xlane v3, v0;
	_ =	sdelay $0x1  }
0x17e: {  	v4 =	vadd.s32 v1, v4;
	_ =	sdelay $0x3  }
0x17f: {  	s21 =	simm.s32 $0xC100  }
0x180: {  	[hbm4b:s4+s1] =	stream.indirect_vreg.scatter [tilespmem:s21], [sflag:$0x1], $0x80, v4, vm0, $0xb8;
	[tilespmem:$0x10100] =	vst v63  }
0x181: {  	s22 =	simm.s32 $0xC900;
	v3 =	vperm.xlane v3, v2  }
0x182: {  	[hbm4b:s8+s1] =	stream.indirect_vreg.scatter [tilespmem:s22], [sflag:$0x1], $0x80, v4, vm0, $0xb8;
	[tilespmem:$0x10100] =	vst v63  }
0x183: {  	s23 =	simm.s32 $0xD100;
	v3 =	vadd.s32 v1, v3  }
0x184: {  	[hbm4b:s9+s1] =	stream.indirect_vreg.scatter [tilespmem:s23], [sflag:$0x1], $0x80, v4, vm0, $0xb8;
	[tilespmem:$0x10100] =	vst v63  }
0x185: {  	s25 =	simm.s32 $0xD900  }
0x186: {  	[hbm4b:s10+s1] =	stream.indirect_vreg.scatter [tilespmem:s25], [sflag:$0x1], $0x80, v4, vm0, $0xb8;
	[tilespmem:$0x10100] =	vst v63  }
0x187: {  	s28 =	simm.s32 $0xE100  }
0x188: {  	[hbm4b:s4+s1] =	stream.indirect_vreg.scatter [tilespmem:s28], [sflag:$0x1], $0x80, v3, vm0, $0xb8;
	[tilespmem:$0x10100] =	vst v63  }
0x189: {  	s29 =	simm.s32 $0xE900  }
0x18a: {  	[hbm4b:s8+s1] =	stream.indirect_vreg.scatter [tilespmem:s29], [sflag:$0x1], $0x80, v3, vm0, $0xb8;
	[tilespmem:$0x10100] =	vst v63  }
0x18b: {  	p0 =	sne.s32 s11, $0x1;
	s30 =	simm.s32 $0xF100  }
0x18c: {  	[hbm4b:s9+s1] =	stream.indirect_vreg.scatter [tilespmem:s30], [sflag:$0x1], $0x80, v3, vm0, $0xb8;
	[tilespmem:$0x10100] =	vst v63  }
.Ltmp0:
0x18d: {  	s31 =	simm.s32 $0xF900;
	(pc) =	sbr.rel @p0 .LBB2_1-.Ltmp0, $4  }
0x18e: {  	[hbm4b:s10+s1] =	stream.indirect_vreg.scatter [tilespmem:s31], [sflag:$0x1], $0x80, v3, vm0, $0xb8;
	[tilespmem:$0x10100] =	vst v63  }
0x18f: {  	_ =	swait.ge [sflag:s26], $0x10000  }
0x190: {  	[sflag:s26] =	ssyncset.done $0x0  }
0x191: {  	s11 =	sadd.s32 $0xFFFFFFFF, s11;
	[sflag:s26] =	ssyncadd.s32 $0xFFFF0000  }
0x192: {  	_ =	sfence.sel $0x180000  }
0x193: {  	[bflag:$0x0] =	sbarrier.arrive $0xFFFF  }
0x194: {  	_ =	strace $0x90000047  }
0x195: {  	s0 =	stileid.u32;
	[bflag:$0x2] =	sbarrier.arrive $0xFFFF  }
0x196: {  	p0 =	sne.s32 s0, $0x0;
	s0 =	rddreg [dreg:$0x2]  }
0x197: {  	s0 =	sadd.s32 @!p0 $0x100000, s0  }
0x198: {  	[sflag:s0] =	ssyncadd.tile.s32 @!p0 $0x1;
	_ =	shalt  }
.Lfunc_end2:
_tile_overlayer_lowered:
.L_overlay_start_2:
0x199: {  	(tag) =	ssettag $0x2  }
0x19a: {  	s0 =	rddreg [dreg:$0x0];
	s2 =	stileid.u32  }
0x19b: {  	s1 =	rddreg [dreg:$0x1];
	p0 =	sne.s32 s2, $0x0  }
0x19c: {  	s3 =	rddreg [dreg:$0x2];
	[bflag:$0x3] =	sbarrier.arrive $0xFFFF;
	s2 =	simm.s32 @!p0 $0x1C02  }
0x19d: {  	[timem:s3], [sflag:s2] =	dma.local @!p0 [hbm:s0], s1  }
0x19e: {  	s0 =	simm.s32 @!p0 $0x2  }
0x19f: {  	_ =	swait.ge @!p0 [sflag:s0], s1  }
0x1a0: {  	s1 =	ssub.s32 @!p0 $0x0, s1;
	[sflag:s0] =	ssyncset.done @!p0 $0x0  }
0x1a1: {  	[sflag:s0] =	ssyncadd.s32 @!p0 s1  }
0x1a2: {  	[bflag:$0x3] =	sbarrier.arrive $0xFFFF  }
0x1a3: {  	_ =	shalt  }

</sc_bundles>
